<compile_context>
chip_gen: v7x
topology: tpu7x:2x2x1
jax: 0.10.2.dev20260603
libtpu: 0.0.44.dev20260713+nightly
codegen_flags: <defaults>
</compile_context>

<pallas_src>
import functools

import jax
import jax.numpy as jnp
from jax import lax
from jax.experimental import pallas as pl
from jax.experimental.pallas import tpu as pltpu
from jax.experimental.pallas import tpu_sc as plsc

GROUP_SIZE = 128
LANES = 16
VPG = GROUP_SIZE // LANES

NUM_CORES = 2
NUM_SUBCORES = 16
NUM_WORKERS = NUM_CORES * NUM_SUBCORES

BLOCK_ROWS = 8


def _quantize_group(in_ref, out_ref, row, col0):
    v = [in_ref[row, pl.ds(col0 + j * LANES, LANES)] for j in range(VPG)]
    mns = list(v)
    mxs = list(v)
    while len(mns) > 1:
        mns = [jnp.minimum(a, b) for a, b in zip(mns[::2], mns[1::2])]
        mxs = [jnp.maximum(a, b) for a, b in zip(mxs[::2], mxs[1::2])]
    mn = mns[0]
    mx = mxs[0]
    lanes = lax.iota(jnp.int32, LANES)
    for s in (8, 4, 2, 1):
        perm = lanes ^ s
        mn = jnp.minimum(mn, mn[perm])
        mx = jnp.maximum(mx, mx[perm])
    d = mx - mn
    r = jnp.where(d > 0.0, 15.0 / d, 0.0)
    c = 0.0 - mn * r
    step = d * (1.0 / 15.0)
    magic = jnp.full((LANES,), 8388608.0, dtype=jnp.float32)
    for j in range(VPG):
        t = v[j] * r + c
        idx = (t + magic) - magic
        out_ref[row, pl.ds(col0 + j * LANES, LANES)] = idx * step + mn


def _quantize_body(x_hbm, out_hbm, in0, in1, out0, out1, si0, si1, so0, so1,
                   *, rows_per_worker, row_groups):
    wid = lax.axis_index("s") * NUM_CORES + lax.axis_index("c")
    num_blocks = rows_per_worker // BLOCK_ROWS
    worker_row = wid * rows_per_worker
    groups_per_block = BLOCK_ROWS * row_groups
    ins = (in0, in1)
    outs = (out0, out1)
    sis = (si0, si1)
    sos = (so0, so1)

    def in_slice(blk):
        return x_hbm.at[pl.ds(worker_row + blk * BLOCK_ROWS, BLOCK_ROWS), :]

    def out_slice(blk):
        return out_hbm.at[pl.ds(worker_row + blk * BLOCK_ROWS, BLOCK_ROWS), :]

    pltpu.async_copy(in_slice(0), ins[0], sis[0])
    pltpu.async_copy(in_slice(1), ins[1], sis[1])

    def do_block(p, blk):
        pltpu.make_async_copy(in_slice(blk), ins[p], sis[p]).wait()

        @pl.when(blk >= 2)
        def _():
            pltpu.make_async_copy(outs[p], out_slice(blk - 2), sos[p]).wait()

        @plsc.parallel_loop(0, groups_per_block, 1, unroll=1)
        def _(g):
            _quantize_group(ins[p], outs[p], g % BLOCK_ROWS,
                            (g // BLOCK_ROWS) * GROUP_SIZE)

        pltpu.async_copy(outs[p], out_slice(blk), sos[p])

        @pl.when(blk + 2 < num_blocks)
        def _():
            pltpu.async_copy(in_slice(blk + 2), ins[p], sis[p])

    def outer(base, carry):
        do_block(0, 2 * base)
        do_block(1, 2 * base + 1)
        return carry

    lax.fori_loop(0, num_blocks // 2, outer, 0)
    pltpu.make_async_copy(outs[0], out_slice(num_blocks - 2), sos[0]).wait()
    pltpu.make_async_copy(outs[1], out_slice(num_blocks - 1), sos[1]).wait()


def kernel(x):
    num_rows, num_cols = x.shape
    row_groups = num_cols // GROUP_SIZE
    assert num_cols % GROUP_SIZE == 0
    rows_per_worker = num_rows // NUM_WORKERS
    assert rows_per_worker % (2 * BLOCK_ROWS) == 0

    mesh = plsc.VectorSubcoreMesh(
        core_axis_name="c",
        subcore_axis_name="s",
        num_cores=NUM_CORES,
        num_subcores=NUM_SUBCORES,
    )
    buf = pltpu.VMEM((BLOCK_ROWS, num_cols), jnp.float32)
    return pl.kernel(
        functools.partial(_quantize_body, rows_per_worker=rows_per_worker,
                          row_groups=row_groups),
        out_type=jax.ShapeDtypeStruct((num_rows, num_cols), jnp.float32),
        mesh=mesh,
        compiler_params=pltpu.CompilerParams(use_tc_tiling_on_sc=True),
        scratch_types=[
            buf, buf, buf, buf,
            pltpu.SemaphoreType.DMA,
            pltpu.SemaphoreType.DMA,
            pltpu.SemaphoreType.DMA,
            pltpu.SemaphoreType.DMA,
        ],
    )(x)

# --- scband reference (transcript-rebuilt; emitter-appended) ---
"""Pipeline reference for scband-quantizer-lut-44306882625830 (READ-ONLY COPY).

The authoritative reference and input builder live on the scoring server;
editing this copy changes nothing except your own understanding.
"""

import jax, jax.numpy as jnp
import numpy as np

GROUP_SIZE = 128
NUM_LEVELS = 16  # bit_width ** 2 with bit_width = 4


def setup_inputs(seed: int = 0) -> dict:
    key = jax.random.key(seed)
    x = jax.random.normal(key, (4096, 2048), dtype=jnp.float32)
    return {"x": x}


def reference(x):
    # regroup
    xg = x.reshape(-1, GROUP_SIZE)
    # _initialize with steps=0: levels = per-group linspace(min, max, bit_width**2)
    x_min = jnp.min(xg, axis=-1, keepdims=True)
    x_max = jnp.max(xg, axis=-1, keepdims=True)
    lin = jnp.linspace(0.0, 1.0, NUM_LEVELS, dtype=x.dtype).reshape(1, -1)
    levels = x_min + (x_max - x_min) * lin  # (G, 16)
    # borders property
    borders = (levels[:, 1:] + levels[:, :-1]) / 2.0  # (G, 15)
    # quantize: histogram-style binning of each element against group borders
    mask = xg[:, :, None] > borders[:, None, :]  # (G, group_size, 15)
    indices = jnp.sum(mask.astype(jnp.int32), axis=2)  # (G, group_size)
    x_q = jnp.take_along_axis(levels, indices, axis=1)
    return x_q.reshape(x.shape)

if __name__ == "__main__":
    import jax
    _d = setup_inputs()
    print(jax.jit(kernel)(*tuple(_d.values())))

</pallas_src>

<mosaic_0001>
#map = affine_map<(d0, d1) -> (0, 0)>
module attributes {stable_mosaic.version = 14 : i64} {
  func.func @_quantize_body(%arg0: i32, %arg1: i32, %arg2: memref<4096x2048xf32, #tpu.memory_space<hbm>>, %arg3: memref<4096x2048xf32, #tpu.memory_space<hbm>>, %arg4: memref<8x2048xf32, #tpu.memory_space<vmem>>, %arg5: memref<8x2048xf32, #tpu.memory_space<vmem>>, %arg6: memref<8x2048xf32, #tpu.memory_space<vmem>>, %arg7: memref<8x2048xf32, #tpu.memory_space<vmem>>, %arg8: memref<!tpu.dma_semaphore, #tpu.memory_space<semaphore_mem>>, %arg9: memref<!tpu.dma_semaphore, #tpu.memory_space<semaphore_mem>>, %arg10: memref<!tpu.dma_semaphore, #tpu.memory_space<semaphore_mem>>, %arg11: memref<!tpu.dma_semaphore, #tpu.memory_space<semaphore_mem>>) attributes {dimension_semantics = [#tpu.dimension_semantics<core_parallel>, #tpu.dimension_semantics<subcore_parallel>], iteration_bounds = array<i64: 2, 16>, scalar_prefetch = 0 : i64, scratch_operands = 8 : i64, tpu.core_type = #tpu.core_type<sc_vector_subcore>, window_params = [{transform_indices = #map}, {transform_indices = #map}]} {
    %mul3A = arith.constant 2 : i32
    %mul3A_0 = arith.muli %arg1, %mul3A : i32
    %add3A = arith.addi %mul3A_0, %arg0 : i32
    %mul3A_1 = arith.constant 128 : i32
    %mul3A_2 = arith.muli %add3A, %mul3A_1 : i32
    %add3A_3 = arith.constant 0 : i32
    %add3A_4 = arith.addi %mul3A_2, %add3A_3 : i32
    %dma_start3A = arith.constant 0 : i32
    %dma_start3A_5 = tpu.memref_slice %arg2[%add3A_4, %dma_start3A] : memref<4096x2048xf32, #tpu.memory_space<hbm>> -> memref<8x2048xf32, #tpu.memory_space<hbm>>
    %dma_start3A_6 = arith.constant 0 : i32
    %dma_start3A_7 = tpu.memref_slice %arg2[%add3A_4, %dma_start3A_6] : memref<4096x2048xf32, #tpu.memory_space<hbm>> -> memref<8x2048xf32, #tpu.memory_space<hbm>>
    tpu.enqueue_dma source(%dma_start3A_7 : memref<8x2048xf32, #tpu.memory_space<hbm>>) target(%arg4 : memref<8x2048xf32, #tpu.memory_space<vmem>>) target_semaphore(%arg8 : memref<!tpu.dma_semaphore, #tpu.memory_space<semaphore_mem>>)
    %add3A_8 = arith.constant 8 : i32
    %add3A_9 = arith.addi %mul3A_2, %add3A_8 : i32
    %dma_start3A_10 = arith.constant 0 : i32
    %dma_start3A_11 = tpu.memref_slice %arg2[%add3A_9, %dma_start3A_10] : memref<4096x2048xf32, #tpu.memory_space<hbm>> -> memref<8x2048xf32, #tpu.memory_space<hbm>>
    %dma_start3A_12 = arith.constant 0 : i32
    %dma_start3A_13 = tpu.memref_slice %arg2[%add3A_9, %dma_start3A_12] : memref<4096x2048xf32, #tpu.memory_space<hbm>> -> memref<8x2048xf32, #tpu.memory_space<hbm>>
    tpu.enqueue_dma source(%dma_start3A_13 : memref<8x2048xf32, #tpu.memory_space<hbm>>) target(%arg5 : memref<8x2048xf32, #tpu.memory_space<vmem>>) target_semaphore(%arg9 : memref<!tpu.dma_semaphore, #tpu.memory_space<semaphore_mem>>)
    %scan3A = arith.constant 0 : i32
    %scan3A_14 = arith.constant 0 : i32
    %scan3A_15 = arith.constant 8 : i32
    %scan3A_16 = arith.addi %scan3A_14, %scan3A_15 : i32
    %scan3A_17 = arith.constant 1 : i32
    scf.for %scan3A_30 = %scan3A_14 to %scan3A_16 step %scan3A_17  : i32 {
      %mul3A_31 = arith.constant 2 : i32
      %mul3A_32 = arith.muli %mul3A_31, %scan3A_30 : i32
      %mul3A_33 = arith.constant 8 : i32
      %mul3A_34 = arith.muli %mul3A_32, %mul3A_33 : i32
      %add3A_35 = arith.addi %mul3A_2, %mul3A_34 : i32
      %dma_wait3A_36 = arith.constant 0 : i32
      %dma_wait3A_37 = tpu.memref_slice %arg2[%add3A_35, %dma_wait3A_36] : memref<4096x2048xf32, #tpu.memory_space<hbm>> -> memref<8x2048xf32, #tpu.memory_space<hbm>>
      %dma_wait3A_38 = arith.constant 0 : i32
      %dma_wait3A_39 = tpu.memref_slice %arg2[%add3A_35, %dma_wait3A_38] : memref<4096x2048xf32, #tpu.memory_space<hbm>> -> memref<8x2048xf32, #tpu.memory_space<hbm>>
      tpu.wait_dma2 semaphore(%arg8 : memref<!tpu.dma_semaphore, #tpu.memory_space<semaphore_mem>>) src(%dma_wait3A_39 : memref<8x2048xf32, #tpu.memory_space<hbm>>) dst(%arg4 : memref<8x2048xf32, #tpu.memory_space<vmem>>)
      %ge3A = arith.constant 2 : i32
      %ge3A_40 = arith.cmpi sge, %mul3A_32, %ge3A : i32
      %convert_element_type3A = arith.extui %ge3A_40 : i1 to i32
      %cond3A = arith.constant 0 : i32
      %cond3A_41 = arith.cmpi ne, %convert_element_type3A, %cond3A : i32
      scf.if %cond3A_41 {
        %sub3A = arith.constant 2 : i32
        %sub3A_90 = arith.subi %mul3A_32, %sub3A : i32
        %mul3A_91 = arith.constant 8 : i32
        %mul3A_92 = arith.muli %sub3A_90, %mul3A_91 : i32
        %add3A_93 = arith.addi %mul3A_2, %mul3A_92 : i32
        %dma_wait3A_94 = arith.constant 0 : i32
        %dma_wait3A_95 = tpu.memref_slice %arg3[%add3A_93, %dma_wait3A_94] : memref<4096x2048xf32, #tpu.memory_space<hbm>> -> memref<8x2048xf32, #tpu.memory_space<hbm>>
        %dma_wait3A_96 = arith.constant 0 : i32
        %dma_wait3A_97 = tpu.memref_slice %arg3[%add3A_93, %dma_wait3A_96] : memref<4096x2048xf32, #tpu.memory_space<hbm>> -> memref<8x2048xf32, #tpu.memory_space<hbm>>
        tpu.wait_dma2 semaphore(%arg10 : memref<!tpu.dma_semaphore, #tpu.memory_space<semaphore_mem>>) src(%arg6 : memref<8x2048xf32, #tpu.memory_space<vmem>>) dst(%dma_wait3A_97 : memref<8x2048xf32, #tpu.memory_space<hbm>>)
      } else {
      }
      %parallel_loop3A = arith.constant 0 : i32
      %parallel_loop3A_42 = arith.constant 128 : i32
      %parallel_loop3A_43 = arith.constant 1 : i32
      scf.for %parallel_loop3A_90 = %parallel_loop3A to %parallel_loop3A_42 step %parallel_loop3A_43  : i32 {
        %parallel_loop3A_91 = arith.constant 8 : i32
        %parallel_loop3A_92 = arith.constant 0 : i32
        %parallel_loop3A_93 = arith.cmpi eq, %parallel_loop3A_91, %parallel_loop3A_92 : i32
        %parallel_loop3A_94 = arith.constant 1 : i32
        %parallel_loop3A_95 = arith.select %parallel_loop3A_93, %parallel_loop3A_94, %parallel_loop3A_91 : i32
        %parallel_loop3A_96 = arith.remsi %parallel_loop3A_90, %parallel_loop3A_95 : i32
        %parallel_loop3A_97 = arith.constant 0 : i32
        %parallel_loop3A_98 = arith.cmpi ne, %parallel_loop3A_96, %parallel_loop3A_97 : i32
        %parallel_loop3A_99 = arith.constant 0 : i32
        %parallel_loop3A_100 = arith.cmpi slt, %parallel_loop3A_96, %parallel_loop3A_99 : i32
        %parallel_loop3A_101 = arith.constant 0 : i32
        %parallel_loop3A_102 = arith.cmpi slt, %parallel_loop3A_95, %parallel_loop3A_101 : i32
        %parallel_loop3A_103 = arith.xori %parallel_loop3A_100, %parallel_loop3A_102 : i1
        %parallel_loop3A_104 = arith.andi %parallel_loop3A_103, %parallel_loop3A_98 : i1
        %parallel_loop3A_105 = arith.addi %parallel_loop3A_96, %parallel_loop3A_95 : i32
        %parallel_loop3A_106 = arith.select %parallel_loop3A_104, %parallel_loop3A_105, %parallel_loop3A_96 : i32
        %parallel_loop3A_107 = arith.constant 8 : i32
        %parallel_loop3A_108 = arith.divsi %parallel_loop3A_90, %parallel_loop3A_107 : i32
        %parallel_loop3A_109 = arith.constant 0 : i32
        %parallel_loop3A_110 = arith.cmpi sgt, %parallel_loop3A_90, %parallel_loop3A_109 : i32
        %parallel_loop3A_111 = arith.extui %parallel_loop3A_110 : i1 to i32
        %parallel_loop3A_112 = arith.constant 0 : i32
        %parallel_loop3A_113 = arith.cmpi slt, %parallel_loop3A_90, %parallel_loop3A_112 : i32
        %parallel_loop3A_114 = arith.extui %parallel_loop3A_113 : i1 to i32
        %parallel_loop3A_115 = arith.subi %parallel_loop3A_111, %parallel_loop3A_114 : i32
        %parallel_loop3A_116 = arith.constant 0 : i32
        %parallel_loop3A_117 = arith.cmpi sgt, %parallel_loop3A_107, %parallel_loop3A_116 : i32
        %parallel_loop3A_118 = arith.extui %parallel_loop3A_117 : i1 to i32
        %parallel_loop3A_119 = arith.constant 0 : i32
        %parallel_loop3A_120 = arith.cmpi slt, %parallel_loop3A_107, %parallel_loop3A_119 : i32
        %parallel_loop3A_121 = arith.extui %parallel_loop3A_120 : i1 to i32
        %parallel_loop3A_122 = arith.subi %parallel_loop3A_118, %parallel_loop3A_121 : i32
        %parallel_loop3A_123 = arith.cmpi ne, %parallel_loop3A_115, %parallel_loop3A_122 : i32
        %parallel_loop3A_124 = arith.remsi %parallel_loop3A_90, %parallel_loop3A_107 : i32
        %parallel_loop3A_125 = arith.constant 0 : i32
        %parallel_loop3A_126 = arith.cmpi ne, %parallel_loop3A_124, %parallel_loop3A_125 : i32
        %parallel_loop3A_127 = arith.andi %parallel_loop3A_123, %parallel_loop3A_126 : i1
        %parallel_loop3A_128 = arith.constant 1 : i32
        %parallel_loop3A_129 = arith.subi %parallel_loop3A_108, %parallel_loop3A_128 : i32
        %parallel_loop3A_130 = arith.select %parallel_loop3A_127, %parallel_loop3A_129, %parallel_loop3A_108 : i32
        %parallel_loop3A_131 = arith.constant 128 : i32
        %parallel_loop3A_132 = arith.muli %parallel_loop3A_130, %parallel_loop3A_131 : i32
        %parallel_loop3A_133 = arith.constant 0 : i32
        %parallel_loop3A_134 = arith.addi %parallel_loop3A_132, %parallel_loop3A_133 : i32
        %parallel_loop3A_135 = arith.index_cast %parallel_loop3A_106 : i32 to index
        %parallel_loop3A_136 = arith.index_cast %parallel_loop3A_134 : i32 to index
        %parallel_loop3A_137 = tpu.vector_load %arg4[%parallel_loop3A_135, %parallel_loop3A_136] {strides = array<i32>} : memref<8x2048xf32, #tpu.memory_space<vmem>>, vector<1x16xf32>,
        %parallel_loop3A_138 = vector.shape_cast %parallel_loop3A_137 : vector<1x16xf32> to vector<16xf32>
        %parallel_loop3A_139 = arith.constant 16 : i32
        %parallel_loop3A_140 = arith.addi %parallel_loop3A_132, %parallel_loop3A_139 : i32
        %parallel_loop3A_141 = arith.index_cast %parallel_loop3A_106 : i32 to index
        %parallel_loop3A_142 = arith.index_cast %parallel_loop3A_140 : i32 to index
        %parallel_loop3A_143 = tpu.vector_load %arg4[%parallel_loop3A_141, %parallel_loop3A_142] {strides = array<i32>} : memref<8x2048xf32, #tpu.memory_space<vmem>>, vector<1x16xf32>,
        %parallel_loop3A_144 = vector.shape_cast %parallel_loop3A_143 : vector<1x16xf32> to vector<16xf32>
        %parallel_loop3A_145 = arith.constant 32 : i32
        %parallel_loop3A_146 = arith.addi %parallel_loop3A_132, %parallel_loop3A_145 : i32
        %parallel_loop3A_147 = arith.index_cast %parallel_loop3A_106 : i32 to index
        %parallel_loop3A_148 = arith.index_cast %parallel_loop3A_146 : i32 to index
        %parallel_loop3A_149 = tpu.vector_load %arg4[%parallel_loop3A_147, %parallel_loop3A_148] {strides = array<i32>} : memref<8x2048xf32, #tpu.memory_space<vmem>>, vector<1x16xf32>,
        %parallel_loop3A_150 = vector.shape_cast %parallel_loop3A_149 : vector<1x16xf32> to vector<16xf32>
        %parallel_loop3A_151 = arith.constant 48 : i32
        %parallel_loop3A_152 = arith.addi %parallel_loop3A_132, %parallel_loop3A_151 : i32
        %parallel_loop3A_153 = arith.index_cast %parallel_loop3A_106 : i32 to index
        %parallel_loop3A_154 = arith.index_cast %parallel_loop3A_152 : i32 to index
        %parallel_loop3A_155 = tpu.vector_load %arg4[%parallel_loop3A_153, %parallel_loop3A_154] {strides = array<i32>} : memref<8x2048xf32, #tpu.memory_space<vmem>>, vector<1x16xf32>,
        %parallel_loop3A_156 = vector.shape_cast %parallel_loop3A_155 : vector<1x16xf32> to vector<16xf32>
        %parallel_loop3A_157 = arith.constant 64 : i32
        %parallel_loop3A_158 = arith.addi %parallel_loop3A_132, %parallel_loop3A_157 : i32
        %parallel_loop3A_159 = arith.index_cast %parallel_loop3A_106 : i32 to index
        %parallel_loop3A_160 = arith.index_cast %parallel_loop3A_158 : i32 to index
        %parallel_loop3A_161 = tpu.vector_load %arg4[%parallel_loop3A_159, %parallel_loop3A_160] {strides = array<i32>} : memref<8x2048xf32, #tpu.memory_space<vmem>>, vector<1x16xf32>,
        %parallel_loop3A_162 = vector.shape_cast %parallel_loop3A_161 : vector<1x16xf32> to vector<16xf32>
        %parallel_loop3A_163 = arith.constant 80 : i32
        %parallel_loop3A_164 = arith.addi %parallel_loop3A_132, %parallel_loop3A_163 : i32
        %parallel_loop3A_165 = arith.index_cast %parallel_loop3A_106 : i32 to index
        %parallel_loop3A_166 = arith.index_cast %parallel_loop3A_164 : i32 to index
        %parallel_loop3A_167 = tpu.vector_load %arg4[%parallel_loop3A_165, %parallel_loop3A_166] {strides = array<i32>} : memref<8x2048xf32, #tpu.memory_space<vmem>>, vector<1x16xf32>,
        %parallel_loop3A_168 = vector.shape_cast %parallel_loop3A_167 : vector<1x16xf32> to vector<16xf32>
        %parallel_loop3A_169 = arith.constant 96 : i32
        %parallel_loop3A_170 = arith.addi %parallel_loop3A_132, %parallel_loop3A_169 : i32
        %parallel_loop3A_171 = arith.index_cast %parallel_loop3A_106 : i32 to index
        %parallel_loop3A_172 = arith.index_cast %parallel_loop3A_170 : i32 to index
        %parallel_loop3A_173 = tpu.vector_load %arg4[%parallel_loop3A_171, %parallel_loop3A_172] {strides = array<i32>} : memref<8x2048xf32, #tpu.memory_space<vmem>>, vector<1x16xf32>,
        %parallel_loop3A_174 = vector.shape_cast %parallel_loop3A_173 : vector<1x16xf32> to vector<16xf32>
        %parallel_loop3A_175 = arith.constant 112 : i32
        %parallel_loop3A_176 = arith.addi %parallel_loop3A_132, %parallel_loop3A_175 : i32
        %parallel_loop3A_177 = arith.index_cast %parallel_loop3A_106 : i32 to index
        %parallel_loop3A_178 = arith.index_cast %parallel_loop3A_176 : i32 to index
        %parallel_loop3A_179 = tpu.vector_load %arg4[%parallel_loop3A_177, %parallel_loop3A_178] {strides = array<i32>} : memref<8x2048xf32, #tpu.memory_space<vmem>>, vector<1x16xf32>,
        %parallel_loop3A_180 = vector.shape_cast %parallel_loop3A_179 : vector<1x16xf32> to vector<16xf32>
        %parallel_loop3A_181 = arith.minimumf %parallel_loop3A_138, %parallel_loop3A_144 : vector<16xf32>
        %parallel_loop3A_182 = arith.minimumf %parallel_loop3A_150, %parallel_loop3A_156 : vector<16xf32>
        %parallel_loop3A_183 = arith.minimumf %parallel_loop3A_162, %parallel_loop3A_168 : vector<16xf32>
        %parallel_loop3A_184 = arith.minimumf %parallel_loop3A_174, %parallel_loop3A_180 : vector<16xf32>
        %parallel_loop3A_185 = arith.maximumf %parallel_loop3A_138, %parallel_loop3A_144 : vector<16xf32>
        %parallel_loop3A_186 = arith.maximumf %parallel_loop3A_150, %parallel_loop3A_156 : vector<16xf32>
        %parallel_loop3A_187 = arith.maximumf %parallel_loop3A_162, %parallel_loop3A_168 : vector<16xf32>
        %parallel_loop3A_188 = arith.maximumf %parallel_loop3A_174, %parallel_loop3A_180 : vector<16xf32>
        %parallel_loop3A_189 = arith.minimumf %parallel_loop3A_181, %parallel_loop3A_182 : vector<16xf32>
        %parallel_loop3A_190 = arith.minimumf %parallel_loop3A_183, %parallel_loop3A_184 : vector<16xf32>
        %parallel_loop3A_191 = arith.maximumf %parallel_loop3A_185, %parallel_loop3A_186 : vector<16xf32>
        %parallel_loop3A_192 = arith.maximumf %parallel_loop3A_187, %parallel_loop3A_188 : vector<16xf32>
        %parallel_loop3A_193 = arith.minimumf %parallel_loop3A_189, %parallel_loop3A_190 : vector<16xf32>
        %parallel_loop3A_194 = arith.maximumf %parallel_loop3A_191, %parallel_loop3A_192 : vector<16xf32>
        %parallel_loop3A_195 = tpu.iota {dimensions = array<i32: 0>} : vector<16xi32>
        %parallel_loop3A_196 = arith.constant 8 : i32
        %parallel_loop3A_197 = vector.broadcast %parallel_loop3A_196 : i32 to vector<16xi32>
        %parallel_loop3A_198 = arith.xori %parallel_loop3A_195, %parallel_loop3A_197 : vector<16xi32>
        %parallel_loop3A_199 = arith.constant 0 : i32
        %parallel_loop3A_200 = vector.broadcast %parallel_loop3A_199 : i32 to vector<16xi32>
        %parallel_loop3A_201 = arith.cmpi slt, %parallel_loop3A_198, %parallel_loop3A_200 : vector<16xi32>
        %parallel_loop3A_202 = arith.constant 16 : i32
        %parallel_loop3A_203 = vector.broadcast %parallel_loop3A_202 : i32 to vector<16xi32>
        %parallel_loop3A_204 = arith.addi %parallel_loop3A_198, %parallel_loop3A_203 : vector<16xi32>
        %parallel_loop3A_205 = arith.select %parallel_loop3A_201, %parallel_loop3A_204, %parallel_loop3A_198 : vector<16xi1>, vector<16xi32>
        %parallel_loop3A_206 = vector.shape_cast %parallel_loop3A_205 : vector<16xi32> to vector<16x1xi32>
        %parallel_loop3A_207 = vector.shape_cast %parallel_loop3A_206 : vector<16x1xi32> to vector<16xi32>
        %parallel_loop3A_208 = tpu.dynamic_gather %parallel_loop3A_193[%parallel_loop3A_207] in [0] : vector<16xf32>, vector<16xi32> -> vector<16xf32>
        %parallel_loop3A_209 = arith.minimumf %parallel_loop3A_193, %parallel_loop3A_208 : vector<16xf32>
        %parallel_loop3A_210 = arith.constant 0 : i32
        %parallel_loop3A_211 = vector.broadcast %parallel_loop3A_210 : i32 to vector<16xi32>
        %parallel_loop3A_212 = arith.cmpi slt, %parallel_loop3A_198, %parallel_loop3A_211 : vector<16xi32>
        %parallel_loop3A_213 = arith.constant 16 : i32
        %parallel_loop3A_214 = vector.broadcast %parallel_loop3A_213 : i32 to vector<16xi32>
        %parallel_loop3A_215 = arith.addi %parallel_loop3A_198, %parallel_loop3A_214 : vector<16xi32>
        %parallel_loop3A_216 = arith.select %parallel_loop3A_212, %parallel_loop3A_215, %parallel_loop3A_198 : vector<16xi1>, vector<16xi32>
        %parallel_loop3A_217 = vector.shape_cast %parallel_loop3A_216 : vector<16xi32> to vector<16x1xi32>
        %parallel_loop3A_218 = vector.shape_cast %parallel_loop3A_217 : vector<16x1xi32> to vector<16xi32>
        %parallel_loop3A_219 = tpu.dynamic_gather %parallel_loop3A_194[%parallel_loop3A_218] in [0] : vector<16xf32>, vector<16xi32> -> vector<16xf32>
        %parallel_loop3A_220 = arith.maximumf %parallel_loop3A_194, %parallel_loop3A_219 : vector<16xf32>
        %parallel_loop3A_221 = arith.constant 4 : i32
        %parallel_loop3A_222 = vector.broadcast %parallel_loop3A_221 : i32 to vector<16xi32>
        %parallel_loop3A_223 = arith.xori %parallel_loop3A_195, %parallel_loop3A_222 : vector<16xi32>
        %parallel_loop3A_224 = arith.constant 0 : i32
        %parallel_loop3A_225 = vector.broadcast %parallel_loop3A_224 : i32 to vector<16xi32>
        %parallel_loop3A_226 = arith.cmpi slt, %parallel_loop3A_223, %parallel_loop3A_225 : vector<16xi32>
        %parallel_loop3A_227 = arith.constant 16 : i32
        %parallel_loop3A_228 = vector.broadcast %parallel_loop3A_227 : i32 to vector<16xi32>
        %parallel_loop3A_229 = arith.addi %parallel_loop3A_223, %parallel_loop3A_228 : vector<16xi32>
        %parallel_loop3A_230 = arith.select %parallel_loop3A_226, %parallel_loop3A_229, %parallel_loop3A_223 : vector<16xi1>, vector<16xi32>
        %parallel_loop3A_231 = vector.shape_cast %parallel_loop3A_230 : vector<16xi32> to vector<16x1xi32>
        %parallel_loop3A_232 = vector.shape_cast %parallel_loop3A_231 : vector<16x1xi32> to vector<16xi32>
        %parallel_loop3A_233 = tpu.dynamic_gather %parallel_loop3A_209[%parallel_loop3A_232] in [0] : vector<16xf32>, vector<16xi32> -> vector<16xf32>
        %parallel_loop3A_234 = arith.minimumf %parallel_loop3A_209, %parallel_loop3A_233 : vector<16xf32>
        %parallel_loop3A_235 = arith.constant 0 : i32
        %parallel_loop3A_236 = vector.broadcast %parallel_loop3A_235 : i32 to vector<16xi32>
        %parallel_loop3A_237 = arith.cmpi slt, %parallel_loop3A_223, %parallel_loop3A_236 : vector<16xi32>
        %parallel_loop3A_238 = arith.constant 16 : i32
        %parallel_loop3A_239 = vector.broadcast %parallel_loop3A_238 : i32 to vector<16xi32>
        %parallel_loop3A_240 = arith.addi %parallel_loop3A_223, %parallel_loop3A_239 : vector<16xi32>
        %parallel_loop3A_241 = arith.select %parallel_loop3A_237, %parallel_loop3A_240, %parallel_loop3A_223 : vector<16xi1>, vector<16xi32>
        %parallel_loop3A_242 = vector.shape_cast %parallel_loop3A_241 : vector<16xi32> to vector<16x1xi32>
        %parallel_loop3A_243 = vector.shape_cast %parallel_loop3A_242 : vector<16x1xi32> to vector<16xi32>
        %parallel_loop3A_244 = tpu.dynamic_gather %parallel_loop3A_220[%parallel_loop3A_243] in [0] : vector<16xf32>, vector<16xi32> -> vector<16xf32>
        %parallel_loop3A_245 = arith.maximumf %parallel_loop3A_220, %parallel_loop3A_244 : vector<16xf32>
        %parallel_loop3A_246 = arith.constant 2 : i32
        %parallel_loop3A_247 = vector.broadcast %parallel_loop3A_246 : i32 to vector<16xi32>
        %parallel_loop3A_248 = arith.xori %parallel_loop3A_195, %parallel_loop3A_247 : vector<16xi32>
        %parallel_loop3A_249 = arith.constant 0 : i32
        %parallel_loop3A_250 = vector.broadcast %parallel_loop3A_249 : i32 to vector<16xi32>
        %parallel_loop3A_251 = arith.cmpi slt, %parallel_loop3A_248, %parallel_loop3A_250 : vector<16xi32>
        %parallel_loop3A_252 = arith.constant 16 : i32
        %parallel_loop3A_253 = vector.broadcast %parallel_loop3A_252 : i32 to vector<16xi32>
        %parallel_loop3A_254 = arith.addi %parallel_loop3A_248, %parallel_loop3A_253 : vector<16xi32>
        %parallel_loop3A_255 = arith.select %parallel_loop3A_251, %parallel_loop3A_254, %parallel_loop3A_248 : vector<16xi1>, vector<16xi32>
        %parallel_loop3A_256 = vector.shape_cast %parallel_loop3A_255 : vector<16xi32> to vector<16x1xi32>
        %parallel_loop3A_257 = vector.shape_cast %parallel_loop3A_256 : vector<16x1xi32> to vector<16xi32>
        %parallel_loop3A_258 = tpu.dynamic_gather %parallel_loop3A_234[%parallel_loop3A_257] in [0] : vector<16xf32>, vector<16xi32> -> vector<16xf32>
        %parallel_loop3A_259 = arith.minimumf %parallel_loop3A_234, %parallel_loop3A_258 : vector<16xf32>
        %parallel_loop3A_260 = arith.constant 0 : i32
        %parallel_loop3A_261 = vector.broadcast %parallel_loop3A_260 : i32 to vector<16xi32>
        %parallel_loop3A_262 = arith.cmpi slt, %parallel_loop3A_248, %parallel_loop3A_261 : vector<16xi32>
        %parallel_loop3A_263 = arith.constant 16 : i32
        %parallel_loop3A_264 = vector.broadcast %parallel_loop3A_263 : i32 to vector<16xi32>
        %parallel_loop3A_265 = arith.addi %parallel_loop3A_248, %parallel_loop3A_264 : vector<16xi32>
        %parallel_loop3A_266 = arith.select %parallel_loop3A_262, %parallel_loop3A_265, %parallel_loop3A_248 : vector<16xi1>, vector<16xi32>
        %parallel_loop3A_267 = vector.shape_cast %parallel_loop3A_266 : vector<16xi32> to vector<16x1xi32>
        %parallel_loop3A_268 = vector.shape_cast %parallel_loop3A_267 : vector<16x1xi32> to vector<16xi32>
        %parallel_loop3A_269 = tpu.dynamic_gather %parallel_loop3A_245[%parallel_loop3A_268] in [0] : vector<16xf32>, vector<16xi32> -> vector<16xf32>
        %parallel_loop3A_270 = arith.maximumf %parallel_loop3A_245, %parallel_loop3A_269 : vector<16xf32>
        %parallel_loop3A_271 = arith.constant 1 : i32
        %parallel_loop3A_272 = vector.broadcast %parallel_loop3A_271 : i32 to vector<16xi32>
        %parallel_loop3A_273 = arith.xori %parallel_loop3A_195, %parallel_loop3A_272 : vector<16xi32>
        %parallel_loop3A_274 = arith.constant 0 : i32
        %parallel_loop3A_275 = vector.broadcast %parallel_loop3A_274 : i32 to vector<16xi32>
        %parallel_loop3A_276 = arith.cmpi slt, %parallel_loop3A_273, %parallel_loop3A_275 : vector<16xi32>
        %parallel_loop3A_277 = arith.constant 16 : i32
        %parallel_loop3A_278 = vector.broadcast %parallel_loop3A_277 : i32 to vector<16xi32>
        %parallel_loop3A_279 = arith.addi %parallel_loop3A_273, %parallel_loop3A_278 : vector<16xi32>
        %parallel_loop3A_280 = arith.select %parallel_loop3A_276, %parallel_loop3A_279, %parallel_loop3A_273 : vector<16xi1>, vector<16xi32>
        %parallel_loop3A_281 = vector.shape_cast %parallel_loop3A_280 : vector<16xi32> to vector<16x1xi32>
        %parallel_loop3A_282 = vector.shape_cast %parallel_loop3A_281 : vector<16x1xi32> to vector<16xi32>
        %parallel_loop3A_283 = tpu.dynamic_gather %parallel_loop3A_259[%parallel_loop3A_282] in [0] : vector<16xf32>, vector<16xi32> -> vector<16xf32>
        %parallel_loop3A_284 = arith.minimumf %parallel_loop3A_259, %parallel_loop3A_283 : vector<16xf32>
        %parallel_loop3A_285 = arith.constant 0 : i32
        %parallel_loop3A_286 = vector.broadcast %parallel_loop3A_285 : i32 to vector<16xi32>
        %parallel_loop3A_287 = arith.cmpi slt, %parallel_loop3A_273, %parallel_loop3A_286 : vector<16xi32>
        %parallel_loop3A_288 = arith.constant 16 : i32
        %parallel_loop3A_289 = vector.broadcast %parallel_loop3A_288 : i32 to vector<16xi32>
        %parallel_loop3A_290 = arith.addi %parallel_loop3A_273, %parallel_loop3A_289 : vector<16xi32>
        %parallel_loop3A_291 = arith.select %parallel_loop3A_287, %parallel_loop3A_290, %parallel_loop3A_273 : vector<16xi1>, vector<16xi32>
        %parallel_loop3A_292 = vector.shape_cast %parallel_loop3A_291 : vector<16xi32> to vector<16x1xi32>
        %parallel_loop3A_293 = vector.shape_cast %parallel_loop3A_292 : vector<16x1xi32> to vector<16xi32>
        %parallel_loop3A_294 = tpu.dynamic_gather %parallel_loop3A_270[%parallel_loop3A_293] in [0] : vector<16xf32>, vector<16xi32> -> vector<16xf32>
        %parallel_loop3A_295 = arith.maximumf %parallel_loop3A_270, %parallel_loop3A_294 : vector<16xf32>
        %parallel_loop3A_296 = arith.subf %parallel_loop3A_295, %parallel_loop3A_284 : vector<16xf32>
        %parallel_loop3A_297 = arith.constant 0.000000e+00 : f32
        %parallel_loop3A_298 = vector.broadcast %parallel_loop3A_297 : f32 to vector<16xf32>
        %parallel_loop3A_299 = arith.cmpf ogt, %parallel_loop3A_296, %parallel_loop3A_298 : vector<16xf32>
        %parallel_loop3A_300 = arith.constant 1.500000e+01 : f32
        %parallel_loop3A_301 = vector.broadcast %parallel_loop3A_300 : f32 to vector<16xf32>
        %parallel_loop3A_302 = arith.divf %parallel_loop3A_301, %parallel_loop3A_296 : vector<16xf32>
        %parallel_loop3A_303 = arith.constant 0.000000e+00 : f32
        %parallel_loop3A_304 = vector.broadcast %parallel_loop3A_303 : f32 to vector<16xf32>
        %parallel_loop3A_305 = arith.select %parallel_loop3A_299, %parallel_loop3A_302, %parallel_loop3A_304 : vector<16xi1>, vector<16xf32>
        %parallel_loop3A_306 = arith.mulf %parallel_loop3A_284, %parallel_loop3A_305 : vector<16xf32>
        %parallel_loop3A_307 = arith.constant 0.000000e+00 : f32
        %parallel_loop3A_308 = vector.broadcast %parallel_loop3A_307 : f32 to vector<16xf32>
        %parallel_loop3A_309 = arith.subf %parallel_loop3A_308, %parallel_loop3A_306 : vector<16xf32>
        %parallel_loop3A_310 = arith.constant 0.0666666701 : f32
        %parallel_loop3A_311 = vector.broadcast %parallel_loop3A_310 : f32 to vector<16xf32>
        %parallel_loop3A_312 = arith.mulf %parallel_loop3A_296, %parallel_loop3A_311 : vector<16xf32>
        %parallel_loop3A_313 = arith.constant 0x4B000000 : f32
        %parallel_loop3A_314 = vector.broadcast %parallel_loop3A_313 : f32 to vector<16xf32>
        %parallel_loop3A_315 = arith.mulf %parallel_loop3A_138, %parallel_loop3A_305 : vector<16xf32>
        %parallel_loop3A_316 = arith.addf %parallel_loop3A_315, %parallel_loop3A_309 : vector<16xf32>
        %parallel_loop3A_317 = arith.addf %parallel_loop3A_316, %parallel_loop3A_314 : vector<16xf32>
        %parallel_loop3A_318 = arith.subf %parallel_loop3A_317, %parallel_loop3A_314 : vector<16xf32>
        %parallel_loop3A_319 = arith.mulf %parallel_loop3A_318, %parallel_loop3A_312 : vector<16xf32>
        %parallel_loop3A_320 = arith.addf %parallel_loop3A_319, %parallel_loop3A_284 : vector<16xf32>
        %parallel_loop3A_321 = arith.constant 0 : i32
        %parallel_loop3A_322 = arith.addi %parallel_loop3A_132, %parallel_loop3A_321 : i32
        %parallel_loop3A_323 = arith.index_cast %parallel_loop3A_106 : i32 to index
        %parallel_loop3A_324 = arith.index_cast %parallel_loop3A_322 : i32 to index
        %parallel_loop3A_325 = tpu.vector_load %arg6[%parallel_loop3A_323, %parallel_loop3A_324] {strides = array<i32>} : memref<8x2048xf32, #tpu.memory_space<vmem>>, vector<1x16xf32>,
        %parallel_loop3A_326 = vector.shape_cast %parallel_loop3A_325 : vector<1x16xf32> to vector<16xf32>
        %parallel_loop3A_327 = vector.shape_cast %parallel_loop3A_320 : vector<16xf32> to vector<1x16xf32>
        tpu.vector_store %arg6[%parallel_loop3A_323, %parallel_loop3A_324], %parallel_loop3A_327 {strides = array<i32>} : memref<8x2048xf32, #tpu.memory_space<vmem>>, vector<1x16xf32>,
        %parallel_loop3A_328 = arith.mulf %parallel_loop3A_144, %parallel_loop3A_305 : vector<16xf32>
        %parallel_loop3A_329 = arith.addf %parallel_loop3A_328, %parallel_loop3A_309 : vector<16xf32>
        %parallel_loop3A_330 = arith.addf %parallel_loop3A_329, %parallel_loop3A_314 : vector<16xf32>
        %parallel_loop3A_331 = arith.subf %parallel_loop3A_330, %parallel_loop3A_314 : vector<16xf32>
        %parallel_loop3A_332 = arith.mulf %parallel_loop3A_331, %parallel_loop3A_312 : vector<16xf32>
        %parallel_loop3A_333 = arith.addf %parallel_loop3A_332, %parallel_loop3A_284 : vector<16xf32>
        %parallel_loop3A_334 = arith.constant 16 : i32
        %parallel_loop3A_335 = arith.addi %parallel_loop3A_132, %parallel_loop3A_334 : i32
        %parallel_loop3A_336 = arith.index_cast %parallel_loop3A_106 : i32 to index
        %parallel_loop3A_337 = arith.index_cast %parallel_loop3A_335 : i32 to index
        %parallel_loop3A_338 = tpu.vector_load %arg6[%parallel_loop3A_336, %parallel_loop3A_337] {strides = array<i32>} : memref<8x2048xf32, #tpu.memory_space<vmem>>, vector<1x16xf32>,
        %parallel_loop3A_339 = vector.shape_cast %parallel_loop3A_338 : vector<1x16xf32> to vector<16xf32>
        %parallel_loop3A_340 = vector.shape_cast %parallel_loop3A_333 : vector<16xf32> to vector<1x16xf32>
        tpu.vector_store %arg6[%parallel_loop3A_336, %parallel_loop3A_337], %parallel_loop3A_340 {strides = array<i32>} : memref<8x2048xf32, #tpu.memory_space<vmem>>, vector<1x16xf32>,
        %parallel_loop3A_341 = arith.mulf %parallel_loop3A_150, %parallel_loop3A_305 : vector<16xf32>
        %parallel_loop3A_342 = arith.addf %parallel_loop3A_341, %parallel_loop3A_309 : vector<16xf32>
        %parallel_loop3A_343 = arith.addf %parallel_loop3A_342, %parallel_loop3A_314 : vector<16xf32>
        %parallel_loop3A_344 = arith.subf %parallel_loop3A_343, %parallel_loop3A_314 : vector<16xf32>
        %parallel_loop3A_345 = arith.mulf %parallel_loop3A_344, %parallel_loop3A_312 : vector<16xf32>
        %parallel_loop3A_346 = arith.addf %parallel_loop3A_345, %parallel_loop3A_284 : vector<16xf32>
        %parallel_loop3A_347 = arith.constant 32 : i32
        %parallel_loop3A_348 = arith.addi %parallel_loop3A_132, %parallel_loop3A_347 : i32
        %parallel_loop3A_349 = arith.index_cast %parallel_loop3A_106 : i32 to index
        %parallel_loop3A_350 = arith.index_cast %parallel_loop3A_348 : i32 to index
        %parallel_loop3A_351 = tpu.vector_load %arg6[%parallel_loop3A_349, %parallel_loop3A_350] {strides = array<i32>} : memref<8x2048xf32, #tpu.memory_space<vmem>>, vector<1x16xf32>,
        %parallel_loop3A_352 = vector.shape_cast %parallel_loop3A_351 : vector<1x16xf32> to vector<16xf32>
        %parallel_loop3A_353 = vector.shape_cast %parallel_loop3A_346 : vector<16xf32> to vector<1x16xf32>
        tpu.vector_store %arg6[%parallel_loop3A_349, %parallel_loop3A_350], %parallel_loop3A_353 {strides = array<i32>} : memref<8x2048xf32, #tpu.memory_space<vmem>>, vector<1x16xf32>,
        %parallel_loop3A_354 = arith.mulf %parallel_loop3A_156, %parallel_loop3A_305 : vector<16xf32>
        %parallel_loop3A_355 = arith.addf %parallel_loop3A_354, %parallel_loop3A_309 : vector<16xf32>
        %parallel_loop3A_356 = arith.addf %parallel_loop3A_355, %parallel_loop3A_314 : vector<16xf32>
        %parallel_loop3A_357 = arith.subf %parallel_loop3A_356, %parallel_loop3A_314 : vector<16xf32>
        %parallel_loop3A_358 = arith.mulf %parallel_loop3A_357, %parallel_loop3A_312 : vector<16xf32>
        %parallel_loop3A_359 = arith.addf %parallel_loop3A_358, %parallel_loop3A_284 : vector<16xf32>
        %parallel_loop3A_360 = arith.constant 48 : i32
        %parallel_loop3A_361 = arith.addi %parallel_loop3A_132, %parallel_loop3A_360 : i32
        %parallel_loop3A_362 = arith.index_cast %parallel_loop3A_106 : i32 to index
        %parallel_loop3A_363 = arith.index_cast %parallel_loop3A_361 : i32 to index
        %parallel_loop3A_364 = tpu.vector_load %arg6[%parallel_loop3A_362, %parallel_loop3A_363] {strides = array<i32>} : memref<8x2048xf32, #tpu.memory_space<vmem>>, vector<1x16xf32>,
        %parallel_loop3A_365 = vector.shape_cast %parallel_loop3A_364 : vector<1x16xf32> to vector<16xf32>
        %parallel_loop3A_366 = vector.shape_cast %parallel_loop3A_359 : vector<16xf32> to vector<1x16xf32>
        tpu.vector_store %arg6[%parallel_loop3A_362, %parallel_loop3A_363], %parallel_loop3A_366 {strides = array<i32>} : memref<8x2048xf32, #tpu.memory_space<vmem>>, vector<1x16xf32>,
        %parallel_loop3A_367 = arith.mulf %parallel_loop3A_162, %parallel_loop3A_305 : vector<16xf32>
        %parallel_loop3A_368 = arith.addf %parallel_loop3A_367, %parallel_loop3A_309 : vector<16xf32>
        %parallel_loop3A_369 = arith.addf %parallel_loop3A_368, %parallel_loop3A_314 : vector<16xf32>
        %parallel_loop3A_370 = arith.subf %parallel_loop3A_369, %parallel_loop3A_314 : vector<16xf32>
        %parallel_loop3A_371 = arith.mulf %parallel_loop3A_370, %parallel_loop3A_312 : vector<16xf32>
        %parallel_loop3A_372 = arith.addf %parallel_loop3A_371, %parallel_loop3A_284 : vector<16xf32>
        %parallel_loop3A_373 = arith.constant 64 : i32
        %parallel_loop3A_374 = arith.addi %parallel_loop3A_132, %parallel_loop3A_373 : i32
        %parallel_loop3A_375 = arith.index_cast %parallel_loop3A_106 : i32 to index
        %parallel_loop3A_376 = arith.index_cast %parallel_loop3A_374 : i32 to index
        %parallel_loop3A_377 = tpu.vector_load %arg6[%parallel_loop3A_375, %parallel_loop3A_376] {strides = array<i32>} : memref<8x2048xf32, #tpu.memory_space<vmem>>, vector<1x16xf32>,
        %parallel_loop3A_378 = vector.shape_cast %parallel_loop3A_377 : vector<1x16xf32> to vector<16xf32>
        %parallel_loop3A_379 = vector.shape_cast %parallel_loop3A_372 : vector<16xf32> to vector<1x16xf32>
        tpu.vector_store %arg6[%parallel_loop3A_375, %parallel_loop3A_376], %parallel_loop3A_379 {strides = array<i32>} : memref<8x2048xf32, #tpu.memory_space<vmem>>, vector<1x16xf32>,
        %parallel_loop3A_380 = arith.mulf %parallel_loop3A_168, %parallel_loop3A_305 : vector<16xf32>
        %parallel_loop3A_381 = arith.addf %parallel_loop3A_380, %parallel_loop3A_309 : vector<16xf32>
        %parallel_loop3A_382 = arith.addf %parallel_loop3A_381, %parallel_loop3A_314 : vector<16xf32>
        %parallel_loop3A_383 = arith.subf %parallel_loop3A_382, %parallel_loop3A_314 : vector<16xf32>
        %parallel_loop3A_384 = arith.mulf %parallel_loop3A_383, %parallel_loop3A_312 : vector<16xf32>
        %parallel_loop3A_385 = arith.addf %parallel_loop3A_384, %parallel_loop3A_284 : vector<16xf32>
        %parallel_loop3A_386 = arith.constant 80 : i32
        %parallel_loop3A_387 = arith.addi %parallel_loop3A_132, %parallel_loop3A_386 : i32
        %parallel_loop3A_388 = arith.index_cast %parallel_loop3A_106 : i32 to index
        %parallel_loop3A_389 = arith.index_cast %parallel_loop3A_387 : i32 to index
        %parallel_loop3A_390 = tpu.vector_load %arg6[%parallel_loop3A_388, %parallel_loop3A_389] {strides = array<i32>} : memref<8x2048xf32, #tpu.memory_space<vmem>>, vector<1x16xf32>,
        %parallel_loop3A_391 = vector.shape_cast %parallel_loop3A_390 : vector<1x16xf32> to vector<16xf32>
        %parallel_loop3A_392 = vector.shape_cast %parallel_loop3A_385 : vector<16xf32> to vector<1x16xf32>
        tpu.vector_store %arg6[%parallel_loop3A_388, %parallel_loop3A_389], %parallel_loop3A_392 {strides = array<i32>} : memref<8x2048xf32, #tpu.memory_space<vmem>>, vector<1x16xf32>,
        %parallel_loop3A_393 = arith.mulf %parallel_loop3A_174, %parallel_loop3A_305 : vector<16xf32>
        %parallel_loop3A_394 = arith.addf %parallel_loop3A_393, %parallel_loop3A_309 : vector<16xf32>
        %parallel_loop3A_395 = arith.addf %parallel_loop3A_394, %parallel_loop3A_314 : vector<16xf32>
        %parallel_loop3A_396 = arith.subf %parallel_loop3A_395, %parallel_loop3A_314 : vector<16xf32>
        %parallel_loop3A_397 = arith.mulf %parallel_loop3A_396, %parallel_loop3A_312 : vector<16xf32>
        %parallel_loop3A_398 = arith.addf %parallel_loop3A_397, %parallel_loop3A_284 : vector<16xf32>
        %parallel_loop3A_399 = arith.constant 96 : i32
        %parallel_loop3A_400 = arith.addi %parallel_loop3A_132, %parallel_loop3A_399 : i32
        %parallel_loop3A_401 = arith.index_cast %parallel_loop3A_106 : i32 to index
        %parallel_loop3A_402 = arith.index_cast %parallel_loop3A_400 : i32 to index
        %parallel_loop3A_403 = tpu.vector_load %arg6[%parallel_loop3A_401, %parallel_loop3A_402] {strides = array<i32>} : memref<8x2048xf32, #tpu.memory_space<vmem>>, vector<1x16xf32>,
        %parallel_loop3A_404 = vector.shape_cast %parallel_loop3A_403 : vector<1x16xf32> to vector<16xf32>
        %parallel_loop3A_405 = vector.shape_cast %parallel_loop3A_398 : vector<16xf32> to vector<1x16xf32>
        tpu.vector_store %arg6[%parallel_loop3A_401, %parallel_loop3A_402], %parallel_loop3A_405 {strides = array<i32>} : memref<8x2048xf32, #tpu.memory_space<vmem>>, vector<1x16xf32>,
        %parallel_loop3A_406 = arith.mulf %parallel_loop3A_180, %parallel_loop3A_305 : vector<16xf32>
        %parallel_loop3A_407 = arith.addf %parallel_loop3A_406, %parallel_loop3A_309 : vector<16xf32>
        %parallel_loop3A_408 = arith.addf %parallel_loop3A_407, %parallel_loop3A_314 : vector<16xf32>
        %parallel_loop3A_409 = arith.subf %parallel_loop3A_408, %parallel_loop3A_314 : vector<16xf32>
        %parallel_loop3A_410 = arith.mulf %parallel_loop3A_409, %parallel_loop3A_312 : vector<16xf32>
        %parallel_loop3A_411 = arith.addf %parallel_loop3A_410, %parallel_loop3A_284 : vector<16xf32>
        %parallel_loop3A_412 = arith.constant 112 : i32
        %parallel_loop3A_413 = arith.addi %parallel_loop3A_132, %parallel_loop3A_412 : i32
        %parallel_loop3A_414 = arith.index_cast %parallel_loop3A_106 : i32 to index
        %parallel_loop3A_415 = arith.index_cast %parallel_loop3A_413 : i32 to index
        %parallel_loop3A_416 = tpu.vector_load %arg6[%parallel_loop3A_414, %parallel_loop3A_415] {strides = array<i32>} : memref<8x2048xf32, #tpu.memory_space<vmem>>, vector<1x16xf32>,
        %parallel_loop3A_417 = vector.shape_cast %parallel_loop3A_416 : vector<1x16xf32> to vector<16xf32>
        %parallel_loop3A_418 = vector.shape_cast %parallel_loop3A_411 : vector<16xf32> to vector<1x16xf32>
        tpu.vector_store %arg6[%parallel_loop3A_414, %parallel_loop3A_415], %parallel_loop3A_418 {strides = array<i32>} : memref<8x2048xf32, #tpu.memory_space<vmem>>, vector<1x16xf32>,
      } {sc.loop_unroll_factor = 1 : i64, sc.parallel_access}
      %mul3A_44 = arith.constant 8 : i32
      %mul3A_45 = arith.muli %mul3A_32, %mul3A_44 : i32
      %add3A_46 = arith.addi %mul3A_2, %mul3A_45 : i32
      %dma_start3A_47 = arith.constant 0 : i32
      %dma_start3A_48 = tpu.memref_slice %arg3[%add3A_46, %dma_start3A_47] : memref<4096x2048xf32, #tpu.memory_space<hbm>> -> memref<8x2048xf32, #tpu.memory_space<hbm>>
      %dma_start3A_49 = arith.constant 0 : i32
      %dma_start3A_50 = tpu.memref_slice %arg3[%add3A_46, %dma_start3A_49] : memref<4096x2048xf32, #tpu.memory_space<hbm>> -> memref<8x2048xf32, #tpu.memory_space<hbm>>
      tpu.enqueue_dma source(%arg6 : memref<8x2048xf32, #tpu.memory_space<vmem>>) target(%dma_start3A_50 : memref<8x2048xf32, #tpu.memory_space<hbm>>) target_semaphore(%arg10 : memref<!tpu.dma_semaphore, #tpu.memory_space<semaphore_mem>>)
      %add3A_51 = arith.constant 2 : i32
      %add3A_52 = arith.addi %mul3A_32, %add3A_51 : i32
      %lt3A = arith.constant 16 : i32
      %lt3A_53 = arith.cmpi slt, %add3A_52, %lt3A : i32
      %convert_element_type3A_54 = arith.extui %lt3A_53 : i1 to i32
      %cond3A_55 = arith.constant 0 : i32
      %cond3A_56 = arith.cmpi ne, %convert_element_type3A_54, %cond3A_55 : i32
      scf.if %cond3A_56 {
        %add3A_90 = arith.constant 2 : i32
        %add3A_91 = arith.addi %mul3A_32, %add3A_90 : i32
        %mul3A_92 = arith.constant 8 : i32
        %mul3A_93 = arith.muli %add3A_91, %mul3A_92 : i32
        %add3A_94 = arith.addi %mul3A_2, %mul3A_93 : i32
        %dma_start3A_95 = arith.constant 0 : i32
        %dma_start3A_96 = tpu.memref_slice %arg2[%add3A_94, %dma_start3A_95] : memref<4096x2048xf32, #tpu.memory_space<hbm>> -> memref<8x2048xf32, #tpu.memory_space<hbm>>
        %dma_start3A_97 = arith.constant 0 : i32
        %dma_start3A_98 = tpu.memref_slice %arg2[%add3A_94, %dma_start3A_97] : memref<4096x2048xf32, #tpu.memory_space<hbm>> -> memref<8x2048xf32, #tpu.memory_space<hbm>>
        tpu.enqueue_dma source(%dma_start3A_98 : memref<8x2048xf32, #tpu.memory_space<hbm>>) target(%arg4 : memref<8x2048xf32, #tpu.memory_space<vmem>>) target_semaphore(%arg8 : memref<!tpu.dma_semaphore, #tpu.memory_space<semaphore_mem>>)
      } else {
      }
      %mul3A_57 = arith.constant 2 : i32
      %mul3A_58 = arith.muli %mul3A_57, %scan3A_30 : i32
      %add3A_59 = arith.constant 1 : i32
      %add3A_60 = arith.addi %mul3A_58, %add3A_59 : i32
      %mul3A_61 = arith.constant 8 : i32
      %mul3A_62 = arith.muli %add3A_60, %mul3A_61 : i32
      %add3A_63 = arith.addi %mul3A_2, %mul3A_62 : i32
      %dma_wait3A_64 = arith.constant 0 : i32
      %dma_wait3A_65 = tpu.memref_slice %arg2[%add3A_63, %dma_wait3A_64] : memref<4096x2048xf32, #tpu.memory_space<hbm>> -> memref<8x2048xf32, #tpu.memory_space<hbm>>
      %dma_wait3A_66 = arith.constant 0 : i32
      %dma_wait3A_67 = tpu.memref_slice %arg2[%add3A_63, %dma_wait3A_66] : memref<4096x2048xf32, #tpu.memory_space<hbm>> -> memref<8x2048xf32, #tpu.memory_space<hbm>>
      tpu.wait_dma2 semaphore(%arg9 : memref<!tpu.dma_semaphore, #tpu.memory_space<semaphore_mem>>) src(%dma_wait3A_67 : memref<8x2048xf32, #tpu.memory_space<hbm>>) dst(%arg5 : memref<8x2048xf32, #tpu.memory_space<vmem>>)
      %ge3A_68 = arith.constant 2 : i32
      %ge3A_69 = arith.cmpi sge, %add3A_60, %ge3A_68 : i32
      %convert_element_type3A_70 = arith.extui %ge3A_69 : i1 to i32
      %cond3A_71 = arith.constant 0 : i32
      %cond3A_72 = arith.cmpi ne, %convert_element_type3A_70, %cond3A_71 : i32
      scf.if %cond3A_72 {
        %sub3A = arith.constant 2 : i32
        %sub3A_90 = arith.subi %add3A_60, %sub3A : i32
        %mul3A_91 = arith.constant 8 : i32
        %mul3A_92 = arith.muli %sub3A_90, %mul3A_91 : i32
        %add3A_93 = arith.addi %mul3A_2, %mul3A_92 : i32
        %dma_wait3A_94 = arith.constant 0 : i32
        %dma_wait3A_95 = tpu.memref_slice %arg3[%add3A_93, %dma_wait3A_94] : memref<4096x2048xf32, #tpu.memory_space<hbm>> -> memref<8x2048xf32, #tpu.memory_space<hbm>>
        %dma_wait3A_96 = arith.constant 0 : i32
        %dma_wait3A_97 = tpu.memref_slice %arg3[%add3A_93, %dma_wait3A_96] : memref<4096x2048xf32, #tpu.memory_space<hbm>> -> memref<8x2048xf32, #tpu.memory_space<hbm>>
        tpu.wait_dma2 semaphore(%arg11 : memref<!tpu.dma_semaphore, #tpu.memory_space<semaphore_mem>>) src(%arg7 : memref<8x2048xf32, #tpu.memory_space<vmem>>) dst(%dma_wait3A_97 : memref<8x2048xf32, #tpu.memory_space<hbm>>)
      } else {
      }
      %parallel_loop3A_73 = arith.constant 0 : i32
      %parallel_loop3A_74 = arith.constant 128 : i32
      %parallel_loop3A_75 = arith.constant 1 : i32
      scf.for %parallel_loop3A_90 = %parallel_loop3A_73 to %parallel_loop3A_74 step %parallel_loop3A_75  : i32 {
        %parallel_loop3A_91 = arith.constant 8 : i32
        %parallel_loop3A_92 = arith.constant 0 : i32
        %parallel_loop3A_93 = arith.cmpi eq, %parallel_loop3A_91, %parallel_loop3A_92 : i32
        %parallel_loop3A_94 = arith.constant 1 : i32
        %parallel_loop3A_95 = arith.select %parallel_loop3A_93, %parallel_loop3A_94, %parallel_loop3A_91 : i32
        %parallel_loop3A_96 = arith.remsi %parallel_loop3A_90, %parallel_loop3A_95 : i32
        %parallel_loop3A_97 = arith.constant 0 : i32
        %parallel_loop3A_98 = arith.cmpi ne, %parallel_loop3A_96, %parallel_loop3A_97 : i32
        %parallel_loop3A_99 = arith.constant 0 : i32
        %parallel_loop3A_100 = arith.cmpi slt, %parallel_loop3A_96, %parallel_loop3A_99 : i32
        %parallel_loop3A_101 = arith.constant 0 : i32
        %parallel_loop3A_102 = arith.cmpi slt, %parallel_loop3A_95, %parallel_loop3A_101 : i32
        %parallel_loop3A_103 = arith.xori %parallel_loop3A_100, %parallel_loop3A_102 : i1
        %parallel_loop3A_104 = arith.andi %parallel_loop3A_103, %parallel_loop3A_98 : i1
        %parallel_loop3A_105 = arith.addi %parallel_loop3A_96, %parallel_loop3A_95 : i32
        %parallel_loop3A_106 = arith.select %parallel_loop3A_104, %parallel_loop3A_105, %parallel_loop3A_96 : i32
        %parallel_loop3A_107 = arith.constant 8 : i32
        %parallel_loop3A_108 = arith.divsi %parallel_loop3A_90, %parallel_loop3A_107 : i32
        %parallel_loop3A_109 = arith.constant 0 : i32
        %parallel_loop3A_110 = arith.cmpi sgt, %parallel_loop3A_90, %parallel_loop3A_109 : i32
        %parallel_loop3A_111 = arith.extui %parallel_loop3A_110 : i1 to i32
        %parallel_loop3A_112 = arith.constant 0 : i32
        %parallel_loop3A_113 = arith.cmpi slt, %parallel_loop3A_90, %parallel_loop3A_112 : i32
        %parallel_loop3A_114 = arith.extui %parallel_loop3A_113 : i1 to i32
        %parallel_loop3A_115 = arith.subi %parallel_loop3A_111, %parallel_loop3A_114 : i32
        %parallel_loop3A_116 = arith.constant 0 : i32
        %parallel_loop3A_117 = arith.cmpi sgt, %parallel_loop3A_107, %parallel_loop3A_116 : i32
        %parallel_loop3A_118 = arith.extui %parallel_loop3A_117 : i1 to i32
        %parallel_loop3A_119 = arith.constant 0 : i32
        %parallel_loop3A_120 = arith.cmpi slt, %parallel_loop3A_107, %parallel_loop3A_119 : i32
        %parallel_loop3A_121 = arith.extui %parallel_loop3A_120 : i1 to i32
        %parallel_loop3A_122 = arith.subi %parallel_loop3A_118, %parallel_loop3A_121 : i32
        %parallel_loop3A_123 = arith.cmpi ne, %parallel_loop3A_115, %parallel_loop3A_122 : i32
        %parallel_loop3A_124 = arith.remsi %parallel_loop3A_90, %parallel_loop3A_107 : i32
        %parallel_loop3A_125 = arith.constant 0 : i32
        %parallel_loop3A_126 = arith.cmpi ne, %parallel_loop3A_124, %parallel_loop3A_125 : i32
        %parallel_loop3A_127 = arith.andi %parallel_loop3A_123, %parallel_loop3A_126 : i1
        %parallel_loop3A_128 = arith.constant 1 : i32
        %parallel_loop3A_129 = arith.subi %parallel_loop3A_108, %parallel_loop3A_128 : i32
        %parallel_loop3A_130 = arith.select %parallel_loop3A_127, %parallel_loop3A_129, %parallel_loop3A_108 : i32
        %parallel_loop3A_131 = arith.constant 128 : i32
        %parallel_loop3A_132 = arith.muli %parallel_loop3A_130, %parallel_loop3A_131 : i32
        %parallel_loop3A_133 = arith.constant 0 : i32
        %parallel_loop3A_134 = arith.addi %parallel_loop3A_132, %parallel_loop3A_133 : i32
        %parallel_loop3A_135 = arith.index_cast %parallel_loop3A_106 : i32 to index
        %parallel_loop3A_136 = arith.index_cast %parallel_loop3A_134 : i32 to index
        %parallel_loop3A_137 = tpu.vector_load %arg5[%parallel_loop3A_135, %parallel_loop3A_136] {strides = array<i32>} : memref<8x2048xf32, #tpu.memory_space<vmem>>, vector<1x16xf32>,
        %parallel_loop3A_138 = vector.shape_cast %parallel_loop3A_137 : vector<1x16xf32> to vector<16xf32>
        %parallel_loop3A_139 = arith.constant 16 : i32
        %parallel_loop3A_140 = arith.addi %parallel_loop3A_132, %parallel_loop3A_139 : i32
        %parallel_loop3A_141 = arith.index_cast %parallel_loop3A_106 : i32 to index
        %parallel_loop3A_142 = arith.index_cast %parallel_loop3A_140 : i32 to index
        %parallel_loop3A_143 = tpu.vector_load %arg5[%parallel_loop3A_141, %parallel_loop3A_142] {strides = array<i32>} : memref<8x2048xf32, #tpu.memory_space<vmem>>, vector<1x16xf32>,
        %parallel_loop3A_144 = vector.shape_cast %parallel_loop3A_143 : vector<1x16xf32> to vector<16xf32>
        %parallel_loop3A_145 = arith.constant 32 : i32
        %parallel_loop3A_146 = arith.addi %parallel_loop3A_132, %parallel_loop3A_145 : i32
        %parallel_loop3A_147 = arith.index_cast %parallel_loop3A_106 : i32 to index
        %parallel_loop3A_148 = arith.index_cast %parallel_loop3A_146 : i32 to index
        %parallel_loop3A_149 = tpu.vector_load %arg5[%parallel_loop3A_147, %parallel_loop3A_148] {strides = array<i32>} : memref<8x2048xf32, #tpu.memory_space<vmem>>, vector<1x16xf32>,
        %parallel_loop3A_150 = vector.shape_cast %parallel_loop3A_149 : vector<1x16xf32> to vector<16xf32>
        %parallel_loop3A_151 = arith.constant 48 : i32
        %parallel_loop3A_152 = arith.addi %parallel_loop3A_132, %parallel_loop3A_151 : i32
        %parallel_loop3A_153 = arith.index_cast %parallel_loop3A_106 : i32 to index
        %parallel_loop3A_154 = arith.index_cast %parallel_loop3A_152 : i32 to index
        %parallel_loop3A_155 = tpu.vector_load %arg5[%parallel_loop3A_153, %parallel_loop3A_154] {strides = array<i32>} : memref<8x2048xf32, #tpu.memory_space<vmem>>, vector<1x16xf32>,
        %parallel_loop3A_156 = vector.shape_cast %parallel_loop3A_155 : vector<1x16xf32> to vector<16xf32>
        %parallel_loop3A_157 = arith.constant 64 : i32
        %parallel_loop3A_158 = arith.addi %parallel_loop3A_132, %parallel_loop3A_157 : i32
        %parallel_loop3A_159 = arith.index_cast %parallel_loop3A_106 : i32 to index
        %parallel_loop3A_160 = arith.index_cast %parallel_loop3A_158 : i32 to index
        %parallel_loop3A_161 = tpu.vector_load %arg5[%parallel_loop3A_159, %parallel_loop3A_160] {strides = array<i32>} : memref<8x2048xf32, #tpu.memory_space<vmem>>, vector<1x16xf32>,
        %parallel_loop3A_162 = vector.shape_cast %parallel_loop3A_161 : vector<1x16xf32> to vector<16xf32>
        %parallel_loop3A_163 = arith.constant 80 : i32
        %parallel_loop3A_164 = arith.addi %parallel_loop3A_132, %parallel_loop3A_163 : i32
        %parallel_loop3A_165 = arith.index_cast %parallel_loop3A_106 : i32 to index
        %parallel_loop3A_166 = arith.index_cast %parallel_loop3A_164 : i32 to index
        %parallel_loop3A_167 = tpu.vector_load %arg5[%parallel_loop3A_165, %parallel_loop3A_166] {strides = array<i32>} : memref<8x2048xf32, #tpu.memory_space<vmem>>, vector<1x16xf32>,
        %parallel_loop3A_168 = vector.shape_cast %parallel_loop3A_167 : vector<1x16xf32> to vector<16xf32>
        %parallel_loop3A_169 = arith.constant 96 : i32
        %parallel_loop3A_170 = arith.addi %parallel_loop3A_132, %parallel_loop3A_169 : i32
        %parallel_loop3A_171 = arith.index_cast %parallel_loop3A_106 : i32 to index
        %parallel_loop3A_172 = arith.index_cast %parallel_loop3A_170 : i32 to index
        %parallel_loop3A_173 = tpu.vector_load %arg5[%parallel_loop3A_171, %parallel_loop3A_172] {strides = array<i32>} : memref<8x2048xf32, #tpu.memory_space<vmem>>, vector<1x16xf32>,
        %parallel_loop3A_174 = vector.shape_cast %parallel_loop3A_173 : vector<1x16xf32> to vector<16xf32>
        %parallel_loop3A_175 = arith.constant 112 : i32
        %parallel_loop3A_176 = arith.addi %parallel_loop3A_132, %parallel_loop3A_175 : i32
        %parallel_loop3A_177 = arith.index_cast %parallel_loop3A_106 : i32 to index
        %parallel_loop3A_178 = arith.index_cast %parallel_loop3A_176 : i32 to index
        %parallel_loop3A_179 = tpu.vector_load %arg5[%parallel_loop3A_177, %parallel_loop3A_178] {strides = array<i32>} : memref<8x2048xf32, #tpu.memory_space<vmem>>, vector<1x16xf32>,
        %parallel_loop3A_180 = vector.shape_cast %parallel_loop3A_179 : vector<1x16xf32> to vector<16xf32>
        %parallel_loop3A_181 = arith.minimumf %parallel_loop3A_138, %parallel_loop3A_144 : vector<16xf32>
        %parallel_loop3A_182 = arith.minimumf %parallel_loop3A_150, %parallel_loop3A_156 : vector<16xf32>
        %parallel_loop3A_183 = arith.minimumf %parallel_loop3A_162, %parallel_loop3A_168 : vector<16xf32>
        %parallel_loop3A_184 = arith.minimumf %parallel_loop3A_174, %parallel_loop3A_180 : vector<16xf32>
        %parallel_loop3A_185 = arith.maximumf %parallel_loop3A_138, %parallel_loop3A_144 : vector<16xf32>
        %parallel_loop3A_186 = arith.maximumf %parallel_loop3A_150, %parallel_loop3A_156 : vector<16xf32>
        %parallel_loop3A_187 = arith.maximumf %parallel_loop3A_162, %parallel_loop3A_168 : vector<16xf32>
        %parallel_loop3A_188 = arith.maximumf %parallel_loop3A_174, %parallel_loop3A_180 : vector<16xf32>
        %parallel_loop3A_189 = arith.minimumf %parallel_loop3A_181, %parallel_loop3A_182 : vector<16xf32>
        %parallel_loop3A_190 = arith.minimumf %parallel_loop3A_183, %parallel_loop3A_184 : vector<16xf32>
        %parallel_loop3A_191 = arith.maximumf %parallel_loop3A_185, %parallel_loop3A_186 : vector<16xf32>
        %parallel_loop3A_192 = arith.maximumf %parallel_loop3A_187, %parallel_loop3A_188 : vector<16xf32>
        %parallel_loop3A_193 = arith.minimumf %parallel_loop3A_189, %parallel_loop3A_190 : vector<16xf32>
        %parallel_loop3A_194 = arith.maximumf %parallel_loop3A_191, %parallel_loop3A_192 : vector<16xf32>
        %parallel_loop3A_195 = tpu.iota {dimensions = array<i32: 0>} : vector<16xi32>
        %parallel_loop3A_196 = arith.constant 8 : i32
        %parallel_loop3A_197 = vector.broadcast %parallel_loop3A_196 : i32 to vector<16xi32>
        %parallel_loop3A_198 = arith.xori %parallel_loop3A_195, %parallel_loop3A_197 : vector<16xi32>
        %parallel_loop3A_199 = arith.constant 0 : i32
        %parallel_loop3A_200 = vector.broadcast %parallel_loop3A_199 : i32 to vector<16xi32>
        %parallel_loop3A_201 = arith.cmpi slt, %parallel_loop3A_198, %parallel_loop3A_200 : vector<16xi32>
        %parallel_loop3A_202 = arith.constant 16 : i32
        %parallel_loop3A_203 = vector.broadcast %parallel_loop3A_202 : i32 to vector<16xi32>
        %parallel_loop3A_204 = arith.addi %parallel_loop3A_198, %parallel_loop3A_203 : vector<16xi32>
        %parallel_loop3A_205 = arith.select %parallel_loop3A_201, %parallel_loop3A_204, %parallel_loop3A_198 : vector<16xi1>, vector<16xi32>
        %parallel_loop3A_206 = vector.shape_cast %parallel_loop3A_205 : vector<16xi32> to vector<16x1xi32>
        %parallel_loop3A_207 = vector.shape_cast %parallel_loop3A_206 : vector<16x1xi32> to vector<16xi32>
        %parallel_loop3A_208 = tpu.dynamic_gather %parallel_loop3A_193[%parallel_loop3A_207] in [0] : vector<16xf32>, vector<16xi32> -> vector<16xf32>
        %parallel_loop3A_209 = arith.minimumf %parallel_loop3A_193, %parallel_loop3A_208 : vector<16xf32>
        %parallel_loop3A_210 = arith.constant 0 : i32
        %parallel_loop3A_211 = vector.broadcast %parallel_loop3A_210 : i32 to vector<16xi32>
        %parallel_loop3A_212 = arith.cmpi slt, %parallel_loop3A_198, %parallel_loop3A_211 : vector<16xi32>
        %parallel_loop3A_213 = arith.constant 16 : i32
        %parallel_loop3A_214 = vector.broadcast %parallel_loop3A_213 : i32 to vector<16xi32>
        %parallel_loop3A_215 = arith.addi %parallel_loop3A_198, %parallel_loop3A_214 : vector<16xi32>
        %parallel_loop3A_216 = arith.select %parallel_loop3A_212, %parallel_loop3A_215, %parallel_loop3A_198 : vector<16xi1>, vector<16xi32>
        %parallel_loop3A_217 = vector.shape_cast %parallel_loop3A_216 : vector<16xi32> to vector<16x1xi32>
        %parallel_loop3A_218 = vector.shape_cast %parallel_loop3A_217 : vector<16x1xi32> to vector<16xi32>
        %parallel_loop3A_219 = tpu.dynamic_gather %parallel_loop3A_194[%parallel_loop3A_218] in [0] : vector<16xf32>, vector<16xi32> -> vector<16xf32>
        %parallel_loop3A_220 = arith.maximumf %parallel_loop3A_194, %parallel_loop3A_219 : vector<16xf32>
        %parallel_loop3A_221 = arith.constant 4 : i32
        %parallel_loop3A_222 = vector.broadcast %parallel_loop3A_221 : i32 to vector<16xi32>
        %parallel_loop3A_223 = arith.xori %parallel_loop3A_195, %parallel_loop3A_222 : vector<16xi32>
        %parallel_loop3A_224 = arith.constant 0 : i32
        %parallel_loop3A_225 = vector.broadcast %parallel_loop3A_224 : i32 to vector<16xi32>
        %parallel_loop3A_226 = arith.cmpi slt, %parallel_loop3A_223, %parallel_loop3A_225 : vector<16xi32>
        %parallel_loop3A_227 = arith.constant 16 : i32
        %parallel_loop3A_228 = vector.broadcast %parallel_loop3A_227 : i32 to vector<16xi32>
        %parallel_loop3A_229 = arith.addi %parallel_loop3A_223, %parallel_loop3A_228 : vector<16xi32>
        %parallel_loop3A_230 = arith.select %parallel_loop3A_226, %parallel_loop3A_229, %parallel_loop3A_223 : vector<16xi1>, vector<16xi32>
        %parallel_loop3A_231 = vector.shape_cast %parallel_loop3A_230 : vector<16xi32> to vector<16x1xi32>
        %parallel_loop3A_232 = vector.shape_cast %parallel_loop3A_231 : vector<16x1xi32> to vector<16xi32>
        %parallel_loop3A_233 = tpu.dynamic_gather %parallel_loop3A_209[%parallel_loop3A_232] in [0] : vector<16xf32>, vector<16xi32> -> vector<16xf32>
        %parallel_loop3A_234 = arith.minimumf %parallel_loop3A_209, %parallel_loop3A_233 : vector<16xf32>
        %parallel_loop3A_235 = arith.constant 0 : i32
        %parallel_loop3A_236 = vector.broadcast %parallel_loop3A_235 : i32 to vector<16xi32>
        %parallel_loop3A_237 = arith.cmpi slt, %parallel_loop3A_223, %parallel_loop3A_236 : vector<16xi32>
        %parallel_loop3A_238 = arith.constant 16 : i32
        %parallel_loop3A_239 = vector.broadcast %parallel_loop3A_238 : i32 to vector<16xi32>
        %parallel_loop3A_240 = arith.addi %parallel_loop3A_223, %parallel_loop3A_239 : vector<16xi32>
        %parallel_loop3A_241 = arith.select %parallel_loop3A_237, %parallel_loop3A_240, %parallel_loop3A_223 : vector<16xi1>, vector<16xi32>
        %parallel_loop3A_242 = vector.shape_cast %parallel_loop3A_241 : vector<16xi32> to vector<16x1xi32>
        %parallel_loop3A_243 = vector.shape_cast %parallel_loop3A_242 : vector<16x1xi32> to vector<16xi32>
        %parallel_loop3A_244 = tpu.dynamic_gather %parallel_loop3A_220[%parallel_loop3A_243] in [0] : vector<16xf32>, vector<16xi32> -> vector<16xf32>
        %parallel_loop3A_245 = arith.maximumf %parallel_loop3A_220, %parallel_loop3A_244 : vector<16xf32>
        %parallel_loop3A_246 = arith.constant 2 : i32
        %parallel_loop3A_247 = vector.broadcast %parallel_loop3A_246 : i32 to vector<16xi32>
        %parallel_loop3A_248 = arith.xori %parallel_loop3A_195, %parallel_loop3A_247 : vector<16xi32>
        %parallel_loop3A_249 = arith.constant 0 : i32
        %parallel_loop3A_250 = vector.broadcast %parallel_loop3A_249 : i32 to vector<16xi32>
        %parallel_loop3A_251 = arith.cmpi slt, %parallel_loop3A_248, %parallel_loop3A_250 : vector<16xi32>
        %parallel_loop3A_252 = arith.constant 16 : i32
        %parallel_loop3A_253 = vector.broadcast %parallel_loop3A_252 : i32 to vector<16xi32>
        %parallel_loop3A_254 = arith.addi %parallel_loop3A_248, %parallel_loop3A_253 : vector<16xi32>
        %parallel_loop3A_255 = arith.select %parallel_loop3A_251, %parallel_loop3A_254, %parallel_loop3A_248 : vector<16xi1>, vector<16xi32>
        %parallel_loop3A_256 = vector.shape_cast %parallel_loop3A_255 : vector<16xi32> to vector<16x1xi32>
        %parallel_loop3A_257 = vector.shape_cast %parallel_loop3A_256 : vector<16x1xi32> to vector<16xi32>
        %parallel_loop3A_258 = tpu.dynamic_gather %parallel_loop3A_234[%parallel_loop3A_257] in [0] : vector<16xf32>, vector<16xi32> -> vector<16xf32>
        %parallel_loop3A_259 = arith.minimumf %parallel_loop3A_234, %parallel_loop3A_258 : vector<16xf32>
        %parallel_loop3A_260 = arith.constant 0 : i32
        %parallel_loop3A_261 = vector.broadcast %parallel_loop3A_260 : i32 to vector<16xi32>
        %parallel_loop3A_262 = arith.cmpi slt, %parallel_loop3A_248, %parallel_loop3A_261 : vector<16xi32>
        %parallel_loop3A_263 = arith.constant 16 : i32
        %parallel_loop3A_264 = vector.broadcast %parallel_loop3A_263 : i32 to vector<16xi32>
        %parallel_loop3A_265 = arith.addi %parallel_loop3A_248, %parallel_loop3A_264 : vector<16xi32>
        %parallel_loop3A_266 = arith.select %parallel_loop3A_262, %parallel_loop3A_265, %parallel_loop3A_248 : vector<16xi1>, vector<16xi32>
        %parallel_loop3A_267 = vector.shape_cast %parallel_loop3A_266 : vector<16xi32> to vector<16x1xi32>
        %parallel_loop3A_268 = vector.shape_cast %parallel_loop3A_267 : vector<16x1xi32> to vector<16xi32>
        %parallel_loop3A_269 = tpu.dynamic_gather %parallel_loop3A_245[%parallel_loop3A_268] in [0] : vector<16xf32>, vector<16xi32> -> vector<16xf32>
        %parallel_loop3A_270 = arith.maximumf %parallel_loop3A_245, %parallel_loop3A_269 : vector<16xf32>
        %parallel_loop3A_271 = arith.constant 1 : i32
        %parallel_loop3A_272 = vector.broadcast %parallel_loop3A_271 : i32 to vector<16xi32>
        %parallel_loop3A_273 = arith.xori %parallel_loop3A_195, %parallel_loop3A_272 : vector<16xi32>
        %parallel_loop3A_274 = arith.constant 0 : i32
        %parallel_loop3A_275 = vector.broadcast %parallel_loop3A_274 : i32 to vector<16xi32>
        %parallel_loop3A_276 = arith.cmpi slt, %parallel_loop3A_273, %parallel_loop3A_275 : vector<16xi32>
        %parallel_loop3A_277 = arith.constant 16 : i32
        %parallel_loop3A_278 = vector.broadcast %parallel_loop3A_277 : i32 to vector<16xi32>
        %parallel_loop3A_279 = arith.addi %parallel_loop3A_273, %parallel_loop3A_278 : vector<16xi32>
        %parallel_loop3A_280 = arith.select %parallel_loop3A_276, %parallel_loop3A_279, %parallel_loop3A_273 : vector<16xi1>, vector<16xi32>
        %parallel_loop3A_281 = vector.shape_cast %parallel_loop3A_280 : vector<16xi32> to vector<16x1xi32>
        %parallel_loop3A_282 = vector.shape_cast %parallel_loop3A_281 : vector<16x1xi32> to vector<16xi32>
        %parallel_loop3A_283 = tpu.dynamic_gather %parallel_loop3A_259[%parallel_loop3A_282] in [0] : vector<16xf32>, vector<16xi32> -> vector<16xf32>
        %parallel_loop3A_284 = arith.minimumf %parallel_loop3A_259, %parallel_loop3A_283 : vector<16xf32>
        %parallel_loop3A_285 = arith.constant 0 : i32
        %parallel_loop3A_286 = vector.broadcast %parallel_loop3A_285 : i32 to vector<16xi32>
        %parallel_loop3A_287 = arith.cmpi slt, %parallel_loop3A_273, %parallel_loop3A_286 : vector<16xi32>
        %parallel_loop3A_288 = arith.constant 16 : i32
        %parallel_loop3A_289 = vector.broadcast %parallel_loop3A_288 : i32 to vector<16xi32>
        %parallel_loop3A_290 = arith.addi %parallel_loop3A_273, %parallel_loop3A_289 : vector<16xi32>
        %parallel_loop3A_291 = arith.select %parallel_loop3A_287, %parallel_loop3A_290, %parallel_loop3A_273 : vector<16xi1>, vector<16xi32>
        %parallel_loop3A_292 = vector.shape_cast %parallel_loop3A_291 : vector<16xi32> to vector<16x1xi32>
        %parallel_loop3A_293 = vector.shape_cast %parallel_loop3A_292 : vector<16x1xi32> to vector<16xi32>
        %parallel_loop3A_294 = tpu.dynamic_gather %parallel_loop3A_270[%parallel_loop3A_293] in [0] : vector<16xf32>, vector<16xi32> -> vector<16xf32>
        %parallel_loop3A_295 = arith.maximumf %parallel_loop3A_270, %parallel_loop3A_294 : vector<16xf32>
        %parallel_loop3A_296 = arith.subf %parallel_loop3A_295, %parallel_loop3A_284 : vector<16xf32>
        %parallel_loop3A_297 = arith.constant 0.000000e+00 : f32
        %parallel_loop3A_298 = vector.broadcast %parallel_loop3A_297 : f32 to vector<16xf32>
        %parallel_loop3A_299 = arith.cmpf ogt, %parallel_loop3A_296, %parallel_loop3A_298 : vector<16xf32>
        %parallel_loop3A_300 = arith.constant 1.500000e+01 : f32
        %parallel_loop3A_301 = vector.broadcast %parallel_loop3A_300 : f32 to vector<16xf32>
        %parallel_loop3A_302 = arith.divf %parallel_loop3A_301, %parallel_loop3A_296 : vector<16xf32>
        %parallel_loop3A_303 = arith.constant 0.000000e+00 : f32
        %parallel_loop3A_304 = vector.broadcast %parallel_loop3A_303 : f32 to vector<16xf32>
        %parallel_loop3A_305 = arith.select %parallel_loop3A_299, %parallel_loop3A_302, %parallel_loop3A_304 : vector<16xi1>, vector<16xf32>
        %parallel_loop3A_306 = arith.mulf %parallel_loop3A_284, %parallel_loop3A_305 : vector<16xf32>
        %parallel_loop3A_307 = arith.constant 0.000000e+00 : f32
        %parallel_loop3A_308 = vector.broadcast %parallel_loop3A_307 : f32 to vector<16xf32>
        %parallel_loop3A_309 = arith.subf %parallel_loop3A_308, %parallel_loop3A_306 : vector<16xf32>
        %parallel_loop3A_310 = arith.constant 0.0666666701 : f32
        %parallel_loop3A_311 = vector.broadcast %parallel_loop3A_310 : f32 to vector<16xf32>
        %parallel_loop3A_312 = arith.mulf %parallel_loop3A_296, %parallel_loop3A_311 : vector<16xf32>
        %parallel_loop3A_313 = arith.constant 0x4B000000 : f32
        %parallel_loop3A_314 = vector.broadcast %parallel_loop3A_313 : f32 to vector<16xf32>
        %parallel_loop3A_315 = arith.mulf %parallel_loop3A_138, %parallel_loop3A_305 : vector<16xf32>
        %parallel_loop3A_316 = arith.addf %parallel_loop3A_315, %parallel_loop3A_309 : vector<16xf32>
        %parallel_loop3A_317 = arith.addf %parallel_loop3A_316, %parallel_loop3A_314 : vector<16xf32>
        %parallel_loop3A_318 = arith.subf %parallel_loop3A_317, %parallel_loop3A_314 : vector<16xf32>
        %parallel_loop3A_319 = arith.mulf %parallel_loop3A_318, %parallel_loop3A_312 : vector<16xf32>
        %parallel_loop3A_320 = arith.addf %parallel_loop3A_319, %parallel_loop3A_284 : vector<16xf32>
        %parallel_loop3A_321 = arith.constant 0 : i32
        %parallel_loop3A_322 = arith.addi %parallel_loop3A_132, %parallel_loop3A_321 : i32
        %parallel_loop3A_323 = arith.index_cast %parallel_loop3A_106 : i32 to index
        %parallel_loop3A_324 = arith.index_cast %parallel_loop3A_322 : i32 to index
        %parallel_loop3A_325 = tpu.vector_load %arg7[%parallel_loop3A_323, %parallel_loop3A_324] {strides = array<i32>} : memref<8x2048xf32, #tpu.memory_space<vmem>>, vector<1x16xf32>,
        %parallel_loop3A_326 = vector.shape_cast %parallel_loop3A_325 : vector<1x16xf32> to vector<16xf32>
        %parallel_loop3A_327 = vector.shape_cast %parallel_loop3A_320 : vector<16xf32> to vector<1x16xf32>
        tpu.vector_store %arg7[%parallel_loop3A_323, %parallel_loop3A_324], %parallel_loop3A_327 {strides = array<i32>} : memref<8x2048xf32, #tpu.memory_space<vmem>>, vector<1x16xf32>,
        %parallel_loop3A_328 = arith.mulf %parallel_loop3A_144, %parallel_loop3A_305 : vector<16xf32>
        %parallel_loop3A_329 = arith.addf %parallel_loop3A_328, %parallel_loop3A_309 : vector<16xf32>
        %parallel_loop3A_330 = arith.addf %parallel_loop3A_329, %parallel_loop3A_314 : vector<16xf32>
        %parallel_loop3A_331 = arith.subf %parallel_loop3A_330, %parallel_loop3A_314 : vector<16xf32>
        %parallel_loop3A_332 = arith.mulf %parallel_loop3A_331, %parallel_loop3A_312 : vector<16xf32>
        %parallel_loop3A_333 = arith.addf %parallel_loop3A_332, %parallel_loop3A_284 : vector<16xf32>
        %parallel_loop3A_334 = arith.constant 16 : i32
        %parallel_loop3A_335 = arith.addi %parallel_loop3A_132, %parallel_loop3A_334 : i32
        %parallel_loop3A_336 = arith.index_cast %parallel_loop3A_106 : i32 to index
        %parallel_loop3A_337 = arith.index_cast %parallel_loop3A_335 : i32 to index
        %parallel_loop3A_338 = tpu.vector_load %arg7[%parallel_loop3A_336, %parallel_loop3A_337] {strides = array<i32>} : memref<8x2048xf32, #tpu.memory_space<vmem>>, vector<1x16xf32>,
        %parallel_loop3A_339 = vector.shape_cast %parallel_loop3A_338 : vector<1x16xf32> to vector<16xf32>
        %parallel_loop3A_340 = vector.shape_cast %parallel_loop3A_333 : vector<16xf32> to vector<1x16xf32>
        tpu.vector_store %arg7[%parallel_loop3A_336, %parallel_loop3A_337], %parallel_loop3A_340 {strides = array<i32>} : memref<8x2048xf32, #tpu.memory_space<vmem>>, vector<1x16xf32>,
        %parallel_loop3A_341 = arith.mulf %parallel_loop3A_150, %parallel_loop3A_305 : vector<16xf32>
        %parallel_loop3A_342 = arith.addf %parallel_loop3A_341, %parallel_loop3A_309 : vector<16xf32>
        %parallel_loop3A_343 = arith.addf %parallel_loop3A_342, %parallel_loop3A_314 : vector<16xf32>
        %parallel_loop3A_344 = arith.subf %parallel_loop3A_343, %parallel_loop3A_314 : vector<16xf32>
        %parallel_loop3A_345 = arith.mulf %parallel_loop3A_344, %parallel_loop3A_312 : vector<16xf32>
        %parallel_loop3A_346 = arith.addf %parallel_loop3A_345, %parallel_loop3A_284 : vector<16xf32>
        %parallel_loop3A_347 = arith.constant 32 : i32
        %parallel_loop3A_348 = arith.addi %parallel_loop3A_132, %parallel_loop3A_347 : i32
        %parallel_loop3A_349 = arith.index_cast %parallel_loop3A_106 : i32 to index
        %parallel_loop3A_350 = arith.index_cast %parallel_loop3A_348 : i32 to index
        %parallel_loop3A_351 = tpu.vector_load %arg7[%parallel_loop3A_349, %parallel_loop3A_350] {strides = array<i32>} : memref<8x2048xf32, #tpu.memory_space<vmem>>, vector<1x16xf32>,
        %parallel_loop3A_352 = vector.shape_cast %parallel_loop3A_351 : vector<1x16xf32> to vector<16xf32>
        %parallel_loop3A_353 = vector.shape_cast %parallel_loop3A_346 : vector<16xf32> to vector<1x16xf32>
        tpu.vector_store %arg7[%parallel_loop3A_349, %parallel_loop3A_350], %parallel_loop3A_353 {strides = array<i32>} : memref<8x2048xf32, #tpu.memory_space<vmem>>, vector<1x16xf32>,
        %parallel_loop3A_354 = arith.mulf %parallel_loop3A_156, %parallel_loop3A_305 : vector<16xf32>
        %parallel_loop3A_355 = arith.addf %parallel_loop3A_354, %parallel_loop3A_309 : vector<16xf32>
        %parallel_loop3A_356 = arith.addf %parallel_loop3A_355, %parallel_loop3A_314 : vector<16xf32>
        %parallel_loop3A_357 = arith.subf %parallel_loop3A_356, %parallel_loop3A_314 : vector<16xf32>
        %parallel_loop3A_358 = arith.mulf %parallel_loop3A_357, %parallel_loop3A_312 : vector<16xf32>
        %parallel_loop3A_359 = arith.addf %parallel_loop3A_358, %parallel_loop3A_284 : vector<16xf32>
        %parallel_loop3A_360 = arith.constant 48 : i32
        %parallel_loop3A_361 = arith.addi %parallel_loop3A_132, %parallel_loop3A_360 : i32
        %parallel_loop3A_362 = arith.index_cast %parallel_loop3A_106 : i32 to index
        %parallel_loop3A_363 = arith.index_cast %parallel_loop3A_361 : i32 to index
        %parallel_loop3A_364 = tpu.vector_load %arg7[%parallel_loop3A_362, %parallel_loop3A_363] {strides = array<i32>} : memref<8x2048xf32, #tpu.memory_space<vmem>>, vector<1x16xf32>,
        %parallel_loop3A_365 = vector.shape_cast %parallel_loop3A_364 : vector<1x16xf32> to vector<16xf32>
        %parallel_loop3A_366 = vector.shape_cast %parallel_loop3A_359 : vector<16xf32> to vector<1x16xf32>
        tpu.vector_store %arg7[%parallel_loop3A_362, %parallel_loop3A_363], %parallel_loop3A_366 {strides = array<i32>} : memref<8x2048xf32, #tpu.memory_space<vmem>>, vector<1x16xf32>,
        %parallel_loop3A_367 = arith.mulf %parallel_loop3A_162, %parallel_loop3A_305 : vector<16xf32>
        %parallel_loop3A_368 = arith.addf %parallel_loop3A_367, %parallel_loop3A_309 : vector<16xf32>
        %parallel_loop3A_369 = arith.addf %parallel_loop3A_368, %parallel_loop3A_314 : vector<16xf32>
        %parallel_loop3A_370 = arith.subf %parallel_loop3A_369, %parallel_loop3A_314 : vector<16xf32>
        %parallel_loop3A_371 = arith.mulf %parallel_loop3A_370, %parallel_loop3A_312 : vector<16xf32>
        %parallel_loop3A_372 = arith.addf %parallel_loop3A_371, %parallel_loop3A_284 : vector<16xf32>
        %parallel_loop3A_373 = arith.constant 64 : i32
        %parallel_loop3A_374 = arith.addi %parallel_loop3A_132, %parallel_loop3A_373 : i32
        %parallel_loop3A_375 = arith.index_cast %parallel_loop3A_106 : i32 to index
        %parallel_loop3A_376 = arith.index_cast %parallel_loop3A_374 : i32 to index
        %parallel_loop3A_377 = tpu.vector_load %arg7[%parallel_loop3A_375, %parallel_loop3A_376] {strides = array<i32>} : memref<8x2048xf32, #tpu.memory_space<vmem>>, vector<1x16xf32>,
        %parallel_loop3A_378 = vector.shape_cast %parallel_loop3A_377 : vector<1x16xf32> to vector<16xf32>
        %parallel_loop3A_379 = vector.shape_cast %parallel_loop3A_372 : vector<16xf32> to vector<1x16xf32>
        tpu.vector_store %arg7[%parallel_loop3A_375, %parallel_loop3A_376], %parallel_loop3A_379 {strides = array<i32>} : memref<8x2048xf32, #tpu.memory_space<vmem>>, vector<1x16xf32>,
        %parallel_loop3A_380 = arith.mulf %parallel_loop3A_168, %parallel_loop3A_305 : vector<16xf32>
        %parallel_loop3A_381 = arith.addf %parallel_loop3A_380, %parallel_loop3A_309 : vector<16xf32>
        %parallel_loop3A_382 = arith.addf %parallel_loop3A_381, %parallel_loop3A_314 : vector<16xf32>
        %parallel_loop3A_383 = arith.subf %parallel_loop3A_382, %parallel_loop3A_314 : vector<16xf32>
        %parallel_loop3A_384 = arith.mulf %parallel_loop3A_383, %parallel_loop3A_312 : vector<16xf32>
        %parallel_loop3A_385 = arith.addf %parallel_loop3A_384, %parallel_loop3A_284 : vector<16xf32>
        %parallel_loop3A_386 = arith.constant 80 : i32
        %parallel_loop3A_387 = arith.addi %parallel_loop3A_132, %parallel_loop3A_386 : i32
        %parallel_loop3A_388 = arith.index_cast %parallel_loop3A_106 : i32 to index
        %parallel_loop3A_389 = arith.index_cast %parallel_loop3A_387 : i32 to index
        %parallel_loop3A_390 = tpu.vector_load %arg7[%parallel_loop3A_388, %parallel_loop3A_389] {strides = array<i32>} : memref<8x2048xf32, #tpu.memory_space<vmem>>, vector<1x16xf32>,
        %parallel_loop3A_391 = vector.shape_cast %parallel_loop3A_390 : vector<1x16xf32> to vector<16xf32>
        %parallel_loop3A_392 = vector.shape_cast %parallel_loop3A_385 : vector<16xf32> to vector<1x16xf32>
        tpu.vector_store %arg7[%parallel_loop3A_388, %parallel_loop3A_389], %parallel_loop3A_392 {strides = array<i32>} : memref<8x2048xf32, #tpu.memory_space<vmem>>, vector<1x16xf32>,
        %parallel_loop3A_393 = arith.mulf %parallel_loop3A_174, %parallel_loop3A_305 : vector<16xf32>
        %parallel_loop3A_394 = arith.addf %parallel_loop3A_393, %parallel_loop3A_309 : vector<16xf32>
        %parallel_loop3A_395 = arith.addf %parallel_loop3A_394, %parallel_loop3A_314 : vector<16xf32>
        %parallel_loop3A_396 = arith.subf %parallel_loop3A_395, %parallel_loop3A_314 : vector<16xf32>
        %parallel_loop3A_397 = arith.mulf %parallel_loop3A_396, %parallel_loop3A_312 : vector<16xf32>
        %parallel_loop3A_398 = arith.addf %parallel_loop3A_397, %parallel_loop3A_284 : vector<16xf32>
        %parallel_loop3A_399 = arith.constant 96 : i32
        %parallel_loop3A_400 = arith.addi %parallel_loop3A_132, %parallel_loop3A_399 : i32
        %parallel_loop3A_401 = arith.index_cast %parallel_loop3A_106 : i32 to index
        %parallel_loop3A_402 = arith.index_cast %parallel_loop3A_400 : i32 to index
        %parallel_loop3A_403 = tpu.vector_load %arg7[%parallel_loop3A_401, %parallel_loop3A_402] {strides = array<i32>} : memref<8x2048xf32, #tpu.memory_space<vmem>>, vector<1x16xf32>,
        %parallel_loop3A_404 = vector.shape_cast %parallel_loop3A_403 : vector<1x16xf32> to vector<16xf32>
        %parallel_loop3A_405 = vector.shape_cast %parallel_loop3A_398 : vector<16xf32> to vector<1x16xf32>
        tpu.vector_store %arg7[%parallel_loop3A_401, %parallel_loop3A_402], %parallel_loop3A_405 {strides = array<i32>} : memref<8x2048xf32, #tpu.memory_space<vmem>>, vector<1x16xf32>,
        %parallel_loop3A_406 = arith.mulf %parallel_loop3A_180, %parallel_loop3A_305 : vector<16xf32>
        %parallel_loop3A_407 = arith.addf %parallel_loop3A_406, %parallel_loop3A_309 : vector<16xf32>
        %parallel_loop3A_408 = arith.addf %parallel_loop3A_407, %parallel_loop3A_314 : vector<16xf32>
        %parallel_loop3A_409 = arith.subf %parallel_loop3A_408, %parallel_loop3A_314 : vector<16xf32>
        %parallel_loop3A_410 = arith.mulf %parallel_loop3A_409, %parallel_loop3A_312 : vector<16xf32>
        %parallel_loop3A_411 = arith.addf %parallel_loop3A_410, %parallel_loop3A_284 : vector<16xf32>
        %parallel_loop3A_412 = arith.constant 112 : i32
        %parallel_loop3A_413 = arith.addi %parallel_loop3A_132, %parallel_loop3A_412 : i32
        %parallel_loop3A_414 = arith.index_cast %parallel_loop3A_106 : i32 to index
        %parallel_loop3A_415 = arith.index_cast %parallel_loop3A_413 : i32 to index
        %parallel_loop3A_416 = tpu.vector_load %arg7[%parallel_loop3A_414, %parallel_loop3A_415] {strides = array<i32>} : memref<8x2048xf32, #tpu.memory_space<vmem>>, vector<1x16xf32>,
        %parallel_loop3A_417 = vector.shape_cast %parallel_loop3A_416 : vector<1x16xf32> to vector<16xf32>
        %parallel_loop3A_418 = vector.shape_cast %parallel_loop3A_411 : vector<16xf32> to vector<1x16xf32>
        tpu.vector_store %arg7[%parallel_loop3A_414, %parallel_loop3A_415], %parallel_loop3A_418 {strides = array<i32>} : memref<8x2048xf32, #tpu.memory_space<vmem>>, vector<1x16xf32>,
      } {sc.loop_unroll_factor = 1 : i64, sc.parallel_access}
      %mul3A_76 = arith.constant 8 : i32
      %mul3A_77 = arith.muli %add3A_60, %mul3A_76 : i32
      %add3A_78 = arith.addi %mul3A_2, %mul3A_77 : i32
      %dma_start3A_79 = arith.constant 0 : i32
      %dma_start3A_80 = tpu.memref_slice %arg3[%add3A_78, %dma_start3A_79] : memref<4096x2048xf32, #tpu.memory_space<hbm>> -> memref<8x2048xf32, #tpu.memory_space<hbm>>
      %dma_start3A_81 = arith.constant 0 : i32
      %dma_start3A_82 = tpu.memref_slice %arg3[%add3A_78, %dma_start3A_81] : memref<4096x2048xf32, #tpu.memory_space<hbm>> -> memref<8x2048xf32, #tpu.memory_space<hbm>>
      tpu.enqueue_dma source(%arg7 : memref<8x2048xf32, #tpu.memory_space<vmem>>) target(%dma_start3A_82 : memref<8x2048xf32, #tpu.memory_space<hbm>>) target_semaphore(%arg11 : memref<!tpu.dma_semaphore, #tpu.memory_space<semaphore_mem>>)
      %add3A_83 = arith.constant 2 : i32
      %add3A_84 = arith.addi %add3A_60, %add3A_83 : i32
      %lt3A_85 = arith.constant 16 : i32
      %lt3A_86 = arith.cmpi slt, %add3A_84, %lt3A_85 : i32
      %convert_element_type3A_87 = arith.extui %lt3A_86 : i1 to i32
      %cond3A_88 = arith.constant 0 : i32
      %cond3A_89 = arith.cmpi ne, %convert_element_type3A_87, %cond3A_88 : i32
      scf.if %cond3A_89 {
        %add3A_90 = arith.constant 2 : i32
        %add3A_91 = arith.addi %add3A_60, %add3A_90 : i32
        %mul3A_92 = arith.constant 8 : i32
        %mul3A_93 = arith.muli %add3A_91, %mul3A_92 : i32
        %add3A_94 = arith.addi %mul3A_2, %mul3A_93 : i32
        %dma_start3A_95 = arith.constant 0 : i32
        %dma_start3A_96 = tpu.memref_slice %arg2[%add3A_94, %dma_start3A_95] : memref<4096x2048xf32, #tpu.memory_space<hbm>> -> memref<8x2048xf32, #tpu.memory_space<hbm>>
        %dma_start3A_97 = arith.constant 0 : i32
        %dma_start3A_98 = tpu.memref_slice %arg2[%add3A_94, %dma_start3A_97] : memref<4096x2048xf32, #tpu.memory_space<hbm>> -> memref<8x2048xf32, #tpu.memory_space<hbm>>
        tpu.enqueue_dma source(%dma_start3A_98 : memref<8x2048xf32, #tpu.memory_space<hbm>>) target(%arg5 : memref<8x2048xf32, #tpu.memory_space<vmem>>) target_semaphore(%arg9 : memref<!tpu.dma_semaphore, #tpu.memory_space<semaphore_mem>>)
      } else {
      }
    }
    %scan3A_18 = arith.constant 8 : i32
    %add3A_19 = arith.constant 112 : i32
    %add3A_20 = arith.addi %mul3A_2, %add3A_19 : i32
    %dma_wait3A = arith.constant 0 : i32
    %dma_wait3A_21 = tpu.memref_slice %arg3[%add3A_20, %dma_wait3A] : memref<4096x2048xf32, #tpu.memory_space<hbm>> -> memref<8x2048xf32, #tpu.memory_space<hbm>>
    %dma_wait3A_22 = arith.constant 0 : i32
    %dma_wait3A_23 = tpu.memref_slice %arg3[%add3A_20, %dma_wait3A_22] : memref<4096x2048xf32, #tpu.memory_space<hbm>> -> memref<8x2048xf32, #tpu.memory_space<hbm>>
    tpu.wait_dma2 semaphore(%arg10 : memref<!tpu.dma_semaphore, #tpu.memory_space<semaphore_mem>>) src(%arg6 : memref<8x2048xf32, #tpu.memory_space<vmem>>) dst(%dma_wait3A_23 : memref<8x2048xf32, #tpu.memory_space<hbm>>)
    %add3A_24 = arith.constant 120 : i32
    %add3A_25 = arith.addi %mul3A_2, %add3A_24 : i32
    %dma_wait3A_26 = arith.constant 0 : i32
    %dma_wait3A_27 = tpu.memref_slice %arg3[%add3A_25, %dma_wait3A_26] : memref<4096x2048xf32, #tpu.memory_space<hbm>> -> memref<8x2048xf32, #tpu.memory_space<hbm>>
    %dma_wait3A_28 = arith.constant 0 : i32
    %dma_wait3A_29 = tpu.memref_slice %arg3[%add3A_25, %dma_wait3A_28] : memref<4096x2048xf32, #tpu.memory_space<hbm>> -> memref<8x2048xf32, #tpu.memory_space<hbm>>
    tpu.wait_dma2 semaphore(%arg11 : memref<!tpu.dma_semaphore, #tpu.memory_space<semaphore_mem>>) src(%arg7 : memref<8x2048xf32, #tpu.memory_space<vmem>>) dst(%dma_wait3A_29 : memref<8x2048xf32, #tpu.memory_space<hbm>>)
    return
  }
}

</mosaic_0001>

<sc_bundles>
// kernel: kernel.3.cloned.1.call-start
scs
__scs_entry_jumppad:
0x0: {  	(pc) =	sbr.rel $0x88, $3  }
0x1: {  	(tag) =	ssettag $0x0;
	lr =	simm.s32 $0x1  }
0x2: {  	[smem:$0x3FA0] =	sst lr;
	_ =	strace $0xD0000000  }
0x3: {  	_ = 	snop  }
0x4: {  	_ = 	snop  }
0x5: {  	_ = 	snop  }
0x6: {  	_ = 	snop  }
0x7: {  	_ = 	snop  }
__scs_overlays_trampoline_lowered:
0x8: {  	[smem:$0x3FAF] =	sst s0  }
0x9: {  	[smem:$0x3FB0] =	sst s1  }
0xa: {  	[smem:$0x3FB1] =	sst s2  }
0xb: {  	[smem:$0x3FB2] =	sst s3  }
0xc: {  	[smem:$0x3FB3] =	sst s4  }
0xd: {  	[smem:$0x3FB4] =	sst s5  }
0xe: {  	[smem:$0x3FB5] =	sst s6  }
0xf: {  	[smem:$0x3FB6] =	sst s7  }
0x10: {  	[smem:$0x3FB7] =	sst s8  }
0x11: {  	[smem:$0x3FB8] =	sst s9;
	s0 =	simm.s32 @!p0 $0x0  }
0x12: {  	s1 =	sld [smem:$0x3F9E];
	s0 =	simm.s32 @p0 $0x1  }
0x13: {  	[smem:$0x3FB9] =	sst s0;
	s0 =	simm.s32 @!p1 $0x0  }
0x14: {  	s2 =	sld [smem:$0x3F9D];
	s0 =	simm.s32 @p1 $0x1  }
0x15: {  	[smem:$0x3FBA] =	sst s0;
	s0 =	simm.s32 @!p2 $0x0  }
0x16: {  	s3 =	sld [smem:$0x3FDB];
	s0 =	simm.s32 @p2 $0x1  }
0x17: {  	s4 =	simm.s32 $0x1BF5;
	[smem:$0x3FBC] =	sst s0  }
0x18: {  	s0 =	sld [smem:$0x3F9F];
	_ =	swait.ge [sflag:s4], $0x0  }
0x19: {  	s7 =	sld [smem:$0x3FA0]  }
0x1a: {  	s8 =	sadd.s32 $0xFFFFE003, lr  }
0x1b: {  	s9 =	sadd.s32 $0xFFFFFEF7, lr;
	s5 =	simm.s32 $0xFFFFFFFF;
	p2 =	slt.u32 s8, $0xFFFFF086  }
0x1c: {  	p1 =	slt.u32 s9, $0xF7A;
	s5 =	simm.s32 @!p2 $0x0  }
0x1d: {  	s5 =	simm.s32 @p1 $0x1;
	p0 =	seq.s32 s7, s2  }
0x1e: {  	s7 =	smul.u32 @!p0 $0xF7A, s2;
	p2 =	seq.s32 @!p0 s5, $0x0  }
0x1f: {  	s9 =	smul.u32 $0xF7A, s1;
	s8 =	simm.s32 @!p0 $0x1BF5;
	p2 =	por !p2, p0  }
0x20: {  	[sflag:s8] =	ssyncset.s32 @!p0 $0xFFFFF086;
	s6 =	sadd.s32 @!p0 s3, s7;
	s7 =	simm.s32 @!p0 $0x108  }
0x21: {  	s3 =	sadd.s32 s3, s9;
	s6 =	sadd.s32 @!p0 $0x88, s6;
	s7 =	simm.s32 @p2 $0x1082  }
0x22: {  	[simem:s7], [sflag:s8] =	dma.local @!p0 [hbm:s6], $0xF7A  }
0x23: {  	s9 =	sor.u32 $0xD0000000, s2;
	s6 =	simm.s32 $0x108;
	_ =	swait.ge @!p0 [sflag:s8], $0x0  }
0x24: {  	s3 =	sadd.s32 $0x88, s3;
	s6 =	simm.s32 @!p1 $0x1082;
	[sflag:s4] =	ssyncset.s32 $0xFFFFF086  }
0x25: {  	[simem:s6], [sflag:s4] =	dma.local [hbm:s3], $0xF7A  }
0x26: {  	[smem:$0x3FA0] =	sst s1;
	(tag) =	ssettag s2;
	_ =	strace s9  }
0x27: {  	s1 =	sld [smem:$0x3FB0]  }
0x28: {  	s2 =	sld [smem:$0x3FB1]  }
0x29: {  	s4 =	sld [smem:$0x3FB3]  }
0x2a: {  	p0 =	seq.s32 s5, $0x0;
	s5 =	sld [smem:$0x3FB4]  }
0x2b: {  	s6 =	sld [smem:$0x3FB5]  }
0x2c: {  	s7 =	sld [smem:$0x3FB6]  }
0x2d: {  	s3 =	simm.s32 $0x108;
	s8 =	sld [smem:$0x3FB7]  }
0x2e: {  	s3 =	simm.s32 @!p0 $0x1082;
	s9 =	sld [smem:$0x3FB8]  }
0x2f: {  	lr =	sadd.s32 s0, s3;
	s0 =	sld [smem:$0x3FAF]  }
0x30: {  	s3 =	sld [smem:$0x3FB2]  }
0x31: {  	[smem:$0x3FBB] =	sst s10  }
0x32: {  	s10 =	sld [smem:$0x3FB9];
	_ =	sdelay $0x3  }
0x33: {  	p0 =	seq.s32 s10, $0x1;
	s10 =	sld [smem:$0x3FBB];
	_ =	sdelay $0x3  }
0x34: {  	[smem:$0x3FBB] =	sst s10  }
0x35: {  	s10 =	sld [smem:$0x3FBA];
	_ =	sdelay $0x3  }
0x36: {  	p1 =	seq.s32 s10, $0x1;
	s10 =	sld [smem:$0x3FBB];
	_ =	sdelay $0x3  }
0x37: {  	[smem:$0x3FBB] =	sst s10  }
0x38: {  	s10 =	sld [smem:$0x3FBC]  }
0x39: {  	_ = 	snop;
	(pc) =	sbr.ind lr, $3  }
0x3a: {  	_ = 	snop  }
0x3b: {  	_ = 	snop  }
0x3c: {  	p2 =	seq.s32 s10, $0x1;
	s10 =	sld [smem:$0x3FBB]  }
0x3d: {  	_ =	shalt  }
0x3e: {  	_ =	shalt  }
0x3f: {  	_ =	shalt  }
0x40: {  	_ =	shalt  }
0x41: {  	_ =	shalt  }
0x42: {  	_ =	shalt  }
0x43: {  	_ =	shalt  }
0x44: {  	_ =	shalt  }
0x45: {  	_ =	shalt  }
0x46: {  	_ =	shalt  }
0x47: {  	_ =	shalt  }
0x48: {  	_ =	shalt  }
0x49: {  	_ =	shalt  }
0x4a: {  	_ =	shalt  }
0x4b: {  	_ =	shalt  }
0x4c: {  	_ =	shalt  }
0x4d: {  	_ =	shalt  }
0x4e: {  	_ =	shalt  }
0x4f: {  	_ =	shalt  }
0x50: {  	_ =	shalt  }
0x51: {  	_ =	shalt  }
0x52: {  	_ =	shalt  }
0x53: {  	_ =	shalt  }
0x54: {  	_ =	shalt  }
0x55: {  	_ =	shalt  }
0x56: {  	_ =	shalt  }
0x57: {  	_ =	shalt  }
0x58: {  	_ =	shalt  }
0x59: {  	_ =	shalt  }
0x5a: {  	_ =	shalt  }
0x5b: {  	_ =	shalt  }
0x5c: {  	_ =	shalt  }
0x5d: {  	_ =	shalt  }
0x5e: {  	_ =	shalt  }
0x5f: {  	_ =	shalt  }
0x60: {  	_ =	shalt  }
0x61: {  	_ =	shalt  }
0x62: {  	_ =	shalt  }
0x63: {  	_ =	shalt  }
0x64: {  	_ =	shalt  }
0x65: {  	_ =	shalt  }
0x66: {  	_ =	shalt  }
0x67: {  	_ =	shalt  }
0x68: {  	_ =	shalt  }
0x69: {  	_ =	shalt  }
0x6a: {  	_ =	shalt  }
0x6b: {  	_ =	shalt  }
0x6c: {  	_ =	shalt  }
0x6d: {  	_ =	shalt  }
0x6e: {  	_ =	shalt  }
0x6f: {  	_ =	shalt  }
0x70: {  	_ =	shalt  }
0x71: {  	_ =	shalt  }
0x72: {  	_ =	shalt  }
0x73: {  	_ =	shalt  }
0x74: {  	_ =	shalt  }
0x75: {  	_ =	shalt  }
0x76: {  	_ =	shalt  }
0x77: {  	_ =	shalt  }
0x78: {  	_ =	shalt  }
0x79: {  	_ =	shalt  }
0x7a: {  	_ =	shalt  }
0x7b: {  	_ =	shalt  }
0x7c: {  	_ =	shalt  }
0x7d: {  	_ =	shalt  }
0x7e: {  	_ =	shalt  }
0x7f: {  	_ =	shalt  }
0x80: {  	_ =	shalt  }
0x81: {  	_ =	shalt  }
0x82: {  	_ =	shalt  }
0x83: {  	_ =	shalt  }
0x84: {  	_ =	shalt  }
0x85: {  	_ =	shalt  }
0x86: {  	_ =	shalt  }
0x87: {  	_ =	shalt  }
.Lfunc_end0:
.L_simem_size_0:
called_computation_lowered:
.L_overlay_start_0:
0x88: {  	s2 =	sld [smem:$0x3FD9]  }
0x89: {  	s3 =	sld [smem:$0x3FFE];
	_ =	sdelay $0x1  }
0x8a: {  	s1 =	srdreg.scid  }
0x8b: {  	s0 =	sand.u32 $0x1, s1  }
0x8c: {  	s18 =	sshll.u32 s0, $0xA;
	s2 =	sadd.s32 s3, s2  }
0x8d: {  	s2 =	sadd.s32 s2, s18  }
0x8e: {  	[smem:$0x3FC7] =	sst s2  }
0x8f: {  	_ = 	snop  }
0x90: {  	s2 =	sld [smem:$0x3FC9]  }
0x91: {  	s19 =	sld [smem:$0x3FD0];
	(tm) =	ssettm $0x1  }
0x92: {  	s4 =	sld [smem:$0x3FFB];
	_ =	sdelay $0x3  }
0x93: {  	_ =	strace s4  }
0x94: {  	s4 =	sld [smem:$0x3FFC];
	_ =	sdelay $0x3  }
0x95: {  	_ =	strace s4  }
0x96: {  	s4 =	sld [smem:$0x3FFD];
	_ =	sdelay $0x3  }
0x97: {  	_ =	strace s4  }
0x98: {  	_ =	strace $0x8FFFFFFF  }
0x99: {  	s20 =	sld [smem:$0x3FDB];
	_ =	sdelay $0x1  }
0x9a: {  	s5 =	simm.s32 $_scs_section_size  }
0x9b: {  	s6 =	simm.s32 $_size__tile_overlayer_lowered;
	s7 =	simm.s32 $_tile_overlayer_lowered  }
0x9c: {  	s23 =	simm.s32 $0x1BFF;
	s22 =	sshll.u32 s7, $0x1;
	s4 =	sadd.s32 s5, s20  }
0x9d: {  	s8 =	simm.s32 $0x0;
	s21 =	sshll.u32 s6, $0x1;
	s6 =	sadd.s32 s22, s4  }
0x9e: {  	[timem:s8], [sflag:s23] =	dma.local [hbm:s6], s21  }
0x9f: {  	_ =	swait.ge [sflag:s23], s21  }
0xa0: {  	s5 =	ssub.s32 $0x0, s21;
	[sflag:s23] =	ssyncset.done $0x0  }
0xa1: {  	[sflag:s23] =	ssyncadd.s32 s5;
	_ =	sdelay $0x1  }
0xa2: {  	s24 =	simm.s32 $0x1B8B  }
0xa3: {  	_ =	swait.ge [sflag:s24], $0x1  }
0xa4: {  	[sflag:s24] =	ssyncset.done $0x0  }
0xa5: {  	s25 =	simm.s32 $0x1B8E;
	[sflag:s24] =	ssyncadd.s32 $0xFFFFFFFF  }
0xa6: {  	s26 =	simm.s32 $execute0_lowered;
	[smem:$0x3FD2] =	sst s25  }
0xa7: {  	s5 =	sshll.u32 s26, $0x1;
	_ =	strace $0x80000046;
	[dreg:$0x1] =	wrdreg $0xFFFFFFFF  }
0xa8: {  	s28 =	simm.s32 $_size_execute0_lowered;
	s4 =	sadd.s32 s4, s5;
	[dreg:$0x0] =	wrdreg $0x0  }
0xa9: {  	s5 =	sshll.u32 s28, $0x1;
	[dreg:$0x2] =	wrdreg s4  }
0xaa: {  	[dreg:$0x3] =	wrdreg s5  }
0xab: {  	[dreg:$0x4] =	wrdreg $0xC0  }
0xac: {  	_ =	task [dreg:s8], $0x5FFFF  }
0xad: {  	[dreg:$0x1] =	wrdreg $0xFFFFFFFF  }
0xae: {  	[dreg:$0x0] =	wrdreg $0x60  }
0xaf: {  	[dreg:$0x2] =	wrdreg s2  }
0xb0: {  	[dreg:$0x3] =	wrdreg s19  }
0xb1: {  	[dreg:$0x4] =	wrdreg $0x9  }
0xb2: {  	_ =	task.clear_ibuf [dreg:s8], $0x5FFFF;
	_ =	strace $0x90000046  }
0xb3: {  	s29 =	simm.s32 $0x9;
	_ =	strace $0x80000048  }
0xb4: {  	_ =	swait.ge [sflag:s29], $0x1  }
0xb5: {  	[sflag:s29] =	ssyncadd.s32 $0xFFFFFFFF  }
0xb6: {  	_ =	strace $0x90000048  }
0xb7: {  	_ =	sfence  }
0xb8: {  	s30 =	sld [smem:$0x0];
	_ =	sdelay $0x2  }
0xb9: {  	s31 =	sshll.u32 s1, $0xD;
	s1 =	sshrl.u32 s1, $0x2  }
0xba: {  	s3 =	sand.u32 $0x4000, s31;
	s1 =	sadd.s32 s1, s30  }
0xbb: {  	s0 =	sor.u32 s3, s0;
	s1 =	sshll.u32 s1, $0x11  }
0xbc: {  	s0 =	sor.u32 s1, s0  }
0xbd: {  	s0 =	sadd.s32 $0x8F2B, s0  }
0xbe: {  	[sflag:s0] =	ssyncadd.remote.s32 $0x1  }
0xbf: {  	_ =	sfence.sel $0xFFFF  }
0xc0: {  	[dreg:$0x0] =	wrdreg $0xFFFFFFFF;
	(pc) =	sbr.abs _section_cstart, $3  }
0xc1: {  	[dreg:$0x1] =	wrdreg $0xFFFFFFFF  }
0xc2: {  	_ =	task.clear_ibuf [dreg:s8], $0x2FFFF;
	_ =	strace $0x9FFFFFFF  }
0xc3: {  	(tm) =	ssettm $0x7FFFFFFF  }
tec
execute0_lowered:
.L_overlay_start_1:
0x0: {  	(tag) =	ssettag $0x1  }
0x1: {  	v0 =	vimm.s32 $0xFEDCBA98;
	v1 =	vimm.s32 $0x76543210;
	s0 =	rddreg [dreg:$0x0];
	v2 =	vimm.s32 $0xBA98FEDC  }
0x2: {  	s2 =	srdreg.scid;
	s6 =	rddreg [dreg:$0x1];
	v3 =	vimm.s32 $0x32107654;
	v4 =	vimm.s32 $0xDCFE98BA;
	v5 =	vimm.s32 $0x54761032  }
0x3: {  	s1 =	stileid.u32;
	s3 =	simm.s32 $0x0;
	v6 =	vimm.s32 $0xEFCDAB89;
	v7 =	vimm.s32 $0x67452301;
	s11 =	simm.s32 $0x4000  }
0x4: {  	s12 =	simm.s32 $0x1;
	s13 =	simm.s32 $0x8000;
	s14 =	simm.s32 $0x2;
	v0 =	vunpack.c.l.s4.s8 v0;
	v1 =	vunpack.c.l.s4.s8 v1;
	v2 =	vunpack.c.l.s4.s8 v2  }
0x5: {  	s15 =	simm.s32 $0x4;
	s16 =	simm.s32 $0xC000;
	s17 =	simm.s32 $0x3;
	v3 =	vunpack.c.l.s4.s8 v3;
	v4 =	vunpack.c.l.s4.s8 v4;
	v5 =	vunpack.c.l.s4.s8 v5  }
0x6: {  	s18 =	simm.s32 $0x0;
	s4 =	sand.u32 $0x1, s2;
	s2 =	rddreg [dreg:$0x2];
	v6 =	vunpack.c.l.s4.s8 v6;
	v7 =	vunpack.c.l.s4.s8 v7;
	v0 =	vunpack.c.0.s8.s32 v0  }
0x7: {  	s5 =	sshll.u32 s1, $0x8;
	[smem:$0x7FF] =	sst s3;
	s7 =	sshll.u32 s4, $0x7;
	v2 =	vunpack.c.0.s8.s32 v2;
	v3 =	vunpack.c.0.s8.s32 v3;
	v4 =	vunpack.c.0.s8.s32 v4  }
.Ltmp0:
0x8: {  	s4 =	ssub.s32 $0x2, s4;
	s7 =	sor.u32 s7, s5;
	v5 =	vunpack.c.0.s8.s32 v5;
	v6 =	vunpack.c.0.s8.s32 v6;
	v7 =	vunpack.c.0.s8.s32 v7;
	(pc) =	sbr.rel .LBB2_1-.Ltmp0, $4  }
0x9: {  	_ =	strace $0x80000047;
	s30 =	sshrl.u32 s4, $0x1;
	v1 =	vunpack.c.0.s8.s32 v1;
	s8 =	sshll.u32 s7, $0x8;
	v2 =	vcombine.low v3, v2  }
0xa: {  	s9 =	ssub.s32 s4, s30;
	s31 =	sshrl.u32 s7, $0x3;
	s4 =	sadd.s32 s0, s8;
	v3 =	vcombine.low v5, v4;
	v4 =	vcombine.low v7, v6;
	v0 =	vand.u32 $0xF, v0  }
0xb: {  	s6 =	sadd.s32 s6, s8;
	s7 =	sor.u32 $0x2, s31;
	s8 =	sor.u32 $0x3, s31;
	v0 =	vcombine.low v0, v1  }
0xc: {  	s9 =	smax.u32 s9, $0x1;
	s5 =	sadd.s32 $0x800, s4;
	s10 =	sadd.s32 $0x800, s6;
	v1 =	vand.u32 $0xF, v2;
	v2 =	vand.u32 $0xF, v3;
	v3 =	vand.u32 $0xF, v4  }
.LBB2_12:
0xd: {  	s18 =	sadd.s32 $0x1, s18  }
0xe: {  	_ =	swait.ge [sflag:s17], $0x4000;
	p0 =	sne.s32 s18, s9  }
.Ltmp1:
0xf: {  	[sflag:s17] =	ssyncset.done $0x0;
	(pc) =	sbr.rel @!p0 .LBB2_13-.Ltmp1, $4  }
0x10: {  	[sflag:s17] =	ssyncadd.s32 $0xFFFFC000  }
0x11: {  	_ =	swait.ge [sflag:s15], $0x4000  }
0x12: {  	[sflag:s15] =	ssyncset.done $0x0  }
0x13: {  	[sflag:s15] =	ssyncadd.s32 $0xFFFFC000  }
.LBB2_1:
0x14: {  	[tilespmem:s3], [sflag:$0x1] =	stream.linear.gather [hbm4b:s4+s3], $0x4000, $0x38;
	[tilespmem:$0x10000] =	vst v63  }
0x15: {  	s19 =	simm.s32 $0x0  }
0x16: {  	[tilespmem:s11], [sflag:$0x2] =	stream.linear.gather [hbm4b:s5+s3], $0x4000, $0x38;
	[tilespmem:$0x10000] =	vst v63  }
.LBB2_2:
0x17: {  	_ =	swait.ge [sflag:s12], $0x4000  }
0x18: {  	p0 =	seq.s32 s19, $0x0;
	[sflag:s12] =	ssyncset.done $0x0  }
0x19: {  	s20 =	simm.s32 @!p0 $0x3;
	[sflag:s12] =	ssyncadd.s32 $0xFFFFC000  }
0x1a: {  	_ =	swait.ge @!p0 [sflag:s20], $0x4000  }
0x1b: {  	[sflag:s20] =	ssyncset.done @!p0 $0x0  }
0x1c: {  	s22 =	simm.s32 $0x0;
	[sflag:s20] =	ssyncadd.s32 @!p0 $0xFFFFC000  }
0x1d: {  	v11 =	vld [tilespmem:s22+$0x50]  }
0x1e: {  	v5 =	vld [tilespmem:s22+$0x30]  }
0x1f: {  	v6 =	vld [tilespmem:s22+$0x70]  }
0x20: {  	v9 =	vld [tilespmem:s22+$0x10]  }
0x21: {  	v10 =	vld [tilespmem:s22+$0x0]  }
0x22: {  	v12 =	vld [tilespmem:s22+$0x60]  }
0x23: {  	v13 =	vld [tilespmem:s22+$0x40]  }
0x24: {  	v16 =	vld [tilespmem:s22+$0x20];
	_ =	sdelay $0x2  }
0x25: {  	v4 =	vmin.f32 v10, v9;
	v7 =	vmax.f32 v10, v9  }
0x26: {  	v8 =	vmin.f32 v12, v6;
	v14 =	vmax.f32 v12, v6;
	v15 =	vmin.f32 v13, v11  }
0x27: {  	v17 =	vmax.f32 v13, v11;
	v18 =	vmax.f32 v16, v5;
	v8 =	vmin.f32 v15, v8  }
0x28: {  	v15 =	vmin.f32 v16, v5;
	v14 =	vmax.f32 v17, v14;
	v7 =	vmax.f32 v7, v18  }
0x29: {  	v4 =	vmin.f32 v4, v15;
	v7 =	vmax.f32 v7, v14  }
0x2a: {  	v4 =	vmin.f32 v4, v8;
	v8 =	vperm.xlane v7, v0  }
0x2b: {  	v14 =	vperm.xlane v4, v0  }
0x2c: {  	v7 =	vmax.f32 v7, v8  }
0x2d: {  	s21 =	simm.s32 $0x80;
	v8 =	vmin.f32 v4, v14;
	v14 =	vperm.xlane v7, v1  }
0x2e: {  	v24 =	vld [tilespmem:s21+$0x30];
	v15 =	vperm.xlane v8, v1  }
0x2f: {  	v25 =	vld [tilespmem:s21+$0x70];
	v14 =	vmax.f32 v7, v14  }
0x30: {  	v20 =	vld [tilespmem:s21+$0x40];
	v8 =	vmin.f32 v8, v15;
	v15 =	vperm.xlane v14, v2  }
0x31: {  	v18 =	vld [tilespmem:s21+$0x60];
	v17 =	vperm.xlane v8, v2  }
0x32: {  	v4 =	vld [tilespmem:s21+$0x50];
	v15 =	vmax.f32 v14, v15  }
0x33: {  	v7 =	vld [tilespmem:s21+$0x10];
	v8 =	vmin.f32 v8, v17;
	v17 =	vperm.xlane v15, v3  }
0x34: {  	v14 =	vld [tilespmem:s21+$0x0];
	v19 =	vperm.xlane v8, v3  }
0x35: {  	v17 =	vmax.f32 v15, v17;
	v15 =	vld [tilespmem:s21+$0x20]  }
0x36: {  	v8 =	vmin.f32 v8, v19  }
0x37: {  	v17 =	vsub.f32 v17, v8  }
0x38: {  	v22 =	vmin.f32 v18, v25;
	v23 =	vmax.f32 v18, v25  }
0x39: {  	v26 =	vmin.f32 v20, v4;
	v27 =	vmax.f32 v20, v4;
	(erf) = vrcp.f32 v17  }
0x3a: {  	v23 =	vmax.f32 v27, v23;
	v21 =	vmax.f32 v14, v7;
	v28 =	vmax.f32 v15, v24  }
0x3b: {  	v19 =	vmin.f32 v14, v7;
	v27 =	vmin.f32 v15, v24;
	v21 =	vmax.f32 v21, v28  }
0x3c: {  	v22 =	vmin.f32 v26, v22;
	v19 =	vmin.f32 v19, v27;
	v21 =	vmax.f32 v21, v23  }
0x3d: {  	v19 =	vmin.f32 v19, v22;
	v22 =	vperm.xlane v21, v0  }
0x3e: {  	v23 =	vperm.xlane v19, v0  }
0x3f: {  	v21 =	vmax.f32 v21, v22  }
0x40: {  	v22 =	vperm.xlane v21, v1  }
0x41: {  	v19 =	vmin.f32 v19, v23  }
0x42: {  	v26 =	vperm.xlane v19, v1;
	v23 =	vpop (erf);
	v21 =	vmax.f32 v21, v22  }
0x43: {  	v23 =	vmul.f32 $1.500000000e+01, v23;
	v22 =	vperm.xlane v21, v2  }
0x44: {  	vm0 =	vgt.f32 v17, $0.0e+00;
	v19 =	vmin.f32 v19, v26  }
0x45: {  	v26 =	vperm.xlane v19, v2;
	v23 =	vnsel vm0, $0x0, v23;
	v21 =	vmax.f32 v21, v22  }
0x46: {  	v27 =	vmul.f32 v23, v8;
	v22 =	vperm.xlane v21, v3  }
0x47: {  	v19 =	vmin.f32 v19, v26;
	v5 =	vmul.f32 v23, v5;
	v28 =	vmul.f32 v23, v6  }
0x48: {  	v29 =	vmul.f32 v23, v10;
	v26 =	vsub.f32 $0.0e+00, v27;
	v27 =	vperm.xlane v19, v3  }
0x49: {  	s23 =	simm.s32 $0x100;
	v10 =	vmul.f32 v23, v12;
	v30 =	vmul.f32 v23, v9  }
0x4a: {  	v9 =	vld [tilespmem:s23+$0x10];
	v21 =	vmax.f32 v21, v22;
	v22 =	vadd.f32 v26, v5;
	v6 =	vmin.f32 v19, v27  }
0x4b: {  	v27 =	vmul.f32 v23, v13;
	v5 =	vld [tilespmem:s23+$0x50];
	v28 =	vadd.f32 v26, v28;
	v31 =	vadd.f32 v26, v10  }
0x4c: {  	v13 =	vld [tilespmem:s23+$0x70];
	v29 =	vadd.f32 v26, v29;
	v30 =	vadd.f32 v26, v30  }
0x4d: {  	v10 =	vld [tilespmem:s23+$0x0];
	v19 =	vsub.f32 v21, v6;
	v12 =	vadd.f32 v26, v27  }
0x4e: {  	v21 =	vmul.f32 $6.666667010e-02, v17;
	v17 =	vld [tilespmem:s23+$0x30];
	v22 =	vadd.f32 $8.388608000e+06, v22;
	v29 =	vadd.f32 $8.388608000e+06, v29  }
0x4f: {  	v27 =	vmul.f32 v23, v16;
	v16 =	vld [tilespmem:s23+$0x60];
	v31 =	vadd.f32 $8.388608000e+06, v31;
	v28 =	vadd.f32 $8.388608000e+06, v28  }
0x50: {  	v23 =	vmul.f32 v23, v11;
	v11 =	vld [tilespmem:s23+$0x20];
	v30 =	vadd.f32 $8.388608000e+06, v30;
	v32 =	vadd.f32 $8.388608000e+06, v12  }
0x51: {  	(erf) = vrcp.f32 v19;
	v27 =	vadd.f32 v26, v27;
	v22 =	vadd.f32 $-8.388608000e+06, v22;
	v12 =	vld [tilespmem:s23+$0x40]  }
0x52: {  	vm15 =	vgt.f32 v19, $0.0e+00;
	v26 =	vadd.f32 v26, v23;
	v29 =	vadd.f32 $-8.388608000e+06, v29  }
0x53: {  	v31 =	vadd.f32 $-8.388608000e+06, v31;
	v28 =	vadd.f32 $-8.388608000e+06, v28;
	v51 =	vmin.f32 v10, v9  }
0x54: {  	v34 =	vmax.f32 v10, v9;
	v32 =	vadd.f32 $-8.388608000e+06, v32;
	v27 =	vadd.f32 $8.388608000e+06, v27  }
0x55: {  	v22 =	vmul.f32 v22, v21;
	v29 =	vmul.f32 v29, v21;
	v23 =	vmin.f32 v16, v13  }
0x56: {  	v35 =	vmax.f32 v16, v13;
	v52 =	vmax.f32 v11, v17;
	v36 =	vmin.f32 v12, v5  }
0x57: {  	v53 =	vmax.f32 v34, v52;
	v37 =	vmax.f32 v12, v5;
	v36 =	vmin.f32 v36, v23  }
0x58: {  	v35 =	vmax.f32 v37, v35;
	v23 =	vadd.f32 $-8.388608000e+06, v30;
	v30 =	vmin.f32 v11, v17  }
0x59: {  	v33 =	vmul.f32 v32, v21;
	v30 =	vmin.f32 v51, v30;
	v32 =	vmax.f32 v53, v35  }
0x5a: {  	v31 =	vmul.f32 v31, v21;
	v30 =	vmin.f32 v30, v36;
	v54 =	vperm.xlane v32, v0  }
0x5b: {  	v26 =	vadd.f32 $8.388608000e+06, v26;
	v28 =	vmul.f32 v28, v21;
	v36 =	vperm.xlane v30, v0  }
0x5c: {  	v27 =	vadd.f32 $-8.388608000e+06, v27;
	v29 =	vadd.f32 v29, v8;
	v32 =	vmax.f32 v32, v54  }
0x5d: {  	v57 =	vadd.f32 $-8.388608000e+06, v26;
	v55 =	vpop (erf);
	v30 =	vmin.f32 v30, v36;
	v58 =	vperm.xlane v32, v1  }
0x5e: {  	v60 =	vadd.f32 v22, v8;
	v56 =	vmul.f32 $1.500000000e+01, v55;
	v59 =	vperm.xlane v30, v1  }
0x5f: {  	v63 =	vadd.f32 v31, v8;
	v27 =	vmul.f32 v27, v21;
	v32 =	vmax.f32 v32, v58  }
0x60: {  	v26 =	vnsel vm15, $0x0, v56;
	v30 =	vmin.f32 v30, v59;
	v61 =	vperm.xlane v32, v2  }
0x61: {  	v38 =	vadd.f32 v27, v8;
	v34 =	vmul.f32 v26, v6;
	v39 =	vperm.xlane v30, v2  }
0x62: {  	[tilespmem:s22+$0x8000] =	vst v29;
	v62 =	vmul.f32 v26, v24;
	v27 =	vmul.f32 v26, v25;
	v32 =	vmax.f32 v32, v61  }
0x63: {  	[tilespmem:s22+$0x8030] =	vst v60;
	v22 =	vsub.f32 $0.0e+00, v34;
	v30 =	vmin.f32 v30, v39;
	v25 =	vperm.xlane v32, v3  }
0x64: {  	v29 =	vmul.f32 v57, v21;
	[tilespmem:s22+$0x8060] =	vst v63;
	v24 =	vadd.f32 v28, v8;
	v31 =	vperm.xlane v30, v3  }
0x65: {  	s24 =	simm.s32 $0x600;
	s20 =	sshll.u32 s19, $0x1;
	[tilespmem:s22+$0x8020] =	vst v38;
	v28 =	vadd.f32 v22, v62;
	v32 =	vmax.f32 v32, v25;
	v25 =	vadd.f32 v33, v8  }
.LBB2_3:
0x66: {  	s25 =	sshra.s32 s24, $0x2;
	p1 =	sne.s32 s24, $0xFE00;
	s24 =	sadd.s32 $0x200, s24;
	v30 =	vmin.f32 v30, v31;
	v31 =	vmul.f32 v26, v14;
	v33 =	vmul.f32 v26, v7;
	v7 =	vmovc v9  }
0x67: {  	v9 =	vmul.f32 v26, v20;
	v35 =	vmul.f32 v23, v21;
	v34 =	vld [tilespmem:s25+$0x50];
	v32 =	vsub.f32 v32, v30;
	[tilespmem:s22+$0x8070] =	vst v24  }
0x68: {  	v18 =	vmul.f32 v26, v18;
	v23 =	vadd.f32 v22, v27;
	v20 =	vadd.f32 v29, v8;
	v24 =	vld [tilespmem:s25+$0x30];
	[tilespmem:s22+$0x8040] =	vst v25  }
0x69: {  	v21 =	vadd.f32 v22, v9;
	v27 =	vadd.f32 v35, v8;
	v8 =	vmovc v6;
	v6 =	vmovc v30;
	v25 =	vld [tilespmem:s25+$0x70];
	(erf) = vrcp.f32 v32  }
0x6a: {  	v14 =	vmovc v10;
	v28 =	vadd.f32 $8.388608000e+06, v28;
	v35 =	vmul.f32 v26, v15;
	v29 =	vadd.f32 v22, v18;
	v9 =	vld [tilespmem:s25+$0x10];
	[tilespmem:s22+$0x8050] =	vst v20  }
0x6b: {  	v30 =	vadd.f32 v22, v31;
	v26 =	vmul.f32 v26, v4;
	v4 =	vmovc v5;
	v36 =	vadd.f32 $8.388608000e+06, v21;
	v10 =	vld [tilespmem:s25+$0x0];
	[tilespmem:s22+$0x8010] =	vst v27;
	s22 =	smov.u32 s21;
	s21 =	smov.u32 s23;
	s23 =	smov.u32 s25  }
0x6c: {  	v28 =	vadd.f32 $-8.388608000e+06, v28;
	v21 =	vmul.f32 $6.666667010e-02, v19;
	v31 =	vadd.f32 v22, v35;
	v19 =	vmovc v32;
	v27 =	vld [tilespmem:s23+$0x60];
	v5 =	vmovc v34  }
0x6d: {  	v15 =	vmovc v11;
	v32 =	vadd.f32 v22, v33;
	v18 =	vmovc v16;
	v20 =	vmov v12;
	v33 =	vadd.f32 $-8.388608000e+06, v36;
	v12 =	vld [tilespmem:s23+$0x40]  }
0x6e: {  	v30 =	vadd.f32 $8.388608000e+06, v30;
	v31 =	vadd.f32 $8.388608000e+06, v31;
	v28 =	vmul.f32 v28, v21;
	v11 =	vld [tilespmem:s23+$0x20]  }
0x6f: {  	v29 =	vadd.f32 $8.388608000e+06, v29;
	v34 =	vadd.f32 $8.388608000e+06, v23;
	v33 =	vmul.f32 v33, v21  }
0x70: {  	v22 =	vadd.f32 v22, v26;
	v35 =	vmin.f32 v10, v9;
	v36 =	vmax.f32 v10, v9  }
0x71: {  	v32 =	vadd.f32 $8.388608000e+06, v32;
	v23 =	vmin.f32 v27, v25;
	v26 =	vmax.f32 v27, v25;
	v16 =	vmovc v27  }
0x72: {  	v30 =	vadd.f32 $-8.388608000e+06, v30;
	v27 =	vmin.f32 v12, v5;
	v37 =	vmax.f32 v12, v5;
	v38 =	vpop (erf)  }
0x73: {  	v27 =	vmin.f32 v27, v23;
	v26 =	vmax.f32 v37, v26;
	v23 =	vadd.f32 $-8.388608000e+06, v32  }
0x74: {  	v31 =	vadd.f32 $-8.388608000e+06, v31;
	v32 =	vmin.f32 v11, v24;
	v37 =	vmax.f32 v11, v24  }
0x75: {  	v30 =	vmul.f32 v30, v21;
	v32 =	vmin.f32 v35, v32;
	v35 =	vmax.f32 v36, v37  }
0x76: {  	v22 =	vadd.f32 $8.388608000e+06, v22;
	v27 =	vmin.f32 v32, v27;
	v26 =	vmax.f32 v35, v26  }
0x77: {  	vm0 =	vgt.f32 v19, $0.0e+00;
	v30 =	vadd.f32 v30, v8;
	v32 =	vperm.xlane v26, v0  }
0x78: {  	v29 =	vadd.f32 $-8.388608000e+06, v29;
	v34 =	vadd.f32 $-8.388608000e+06, v34;
	v35 =	vperm.xlane v27, v0  }
0x79: {  	v36 =	vadd.f32 $-8.388608000e+06, v22;
	v32 =	vmax.f32 v26, v32;
	v26 =	vmul.f32 $1.500000000e+01, v38;
	[tilespmem:s22+$0x8000] =	vst v30  }
0x7a: {  	v29 =	vmul.f32 v29, v21;
	v22 =	vmin.f32 v27, v35;
	v27 =	vperm.xlane v32, v1  }
0x7b: {  	v31 =	vmul.f32 v31, v21;
	v30 =	vperm.xlane v22, v1;
	v26 =	vnsel vm0, $0x0, v26  }
0x7c: {  	v28 =	vadd.f32 v28, v8;
	v27 =	vmax.f32 v32, v27;
	v32 =	vmul.f32 v26, v6  }
0x7d: {  	v31 =	vadd.f32 v31, v8;
	v30 =	vmin.f32 v22, v30;
	v35 =	vperm.xlane v27, v2  }
.Ltmp2:
0x7e: {  	v37 =	vperm.xlane v30, v2;
	v22 =	vsub.f32 $0.0e+00, v32;
	[tilespmem:s22+$0x8030] =	vst v28;
	v28 =	vmul.f32 v34, v21;
	(pc) =	sbr.rel @p1 .LBB2_3-.Ltmp2, $4  }
0x7f: {  	v32 =	vmax.f32 v27, v35;
	v34 =	vmul.f32 v26, v17;
	v27 =	vmul.f32 v26, v13;
	[tilespmem:s22+$0x8020] =	vst v31  }
0x80: {  	v30 =	vmin.f32 v30, v37;
	v37 =	vadd.f32 v29, v8;
	v17 =	vmovc v24;
	v35 =	vperm.xlane v32, v3  }
0x81: {  	v29 =	vmul.f32 v36, v21;
	v13 =	vmovc v25;
	v31 =	vperm.xlane v30, v3;
	v24 =	vadd.f32 v28, v8  }
0x82: {  	v25 =	vadd.f32 v33, v8;
	v28 =	vadd.f32 v22, v34;
	v32 =	vmax.f32 v32, v35;
	[tilespmem:s22+$0x8060] =	vst v37  }
0x83: {  	v20 =	vmul.f32 v26, v20  }
0x84: {  	v30 =	vmin.f32 v30, v31;
	v21 =	vmul.f32 v23, v21;
	v18 =	vmul.f32 v26, v18  }
0x85: {  	v45 =	vadd.f32 v22, v27;
	v46 =	vadd.f32 v29, v8;
	v14 =	vmul.f32 v26, v14  }
0x86: {  	v15 =	vmul.f32 v26, v15;
	v31 =	vsub.f32 v32, v30;
	v48 =	vadd.f32 $8.388608000e+06, v28  }
0x87: {  	v7 =	vmul.f32 v26, v7;
	v20 =	vadd.f32 v22, v20;
	v47 =	vadd.f32 v21, v8  }
0x88: {  	v4 =	vmul.f32 v26, v4;
	v18 =	vadd.f32 v22, v18;
	v14 =	vadd.f32 v22, v14  }
0x89: {  	v15 =	vadd.f32 v22, v15;
	v7 =	vadd.f32 v22, v7;
	(erf) = vrcp.f32 v31  }
0x8a: {  	v4 =	vadd.f32 v22, v4;
	v49 =	vadd.f32 $8.388608000e+06, v45  }
0x8b: {  	v21 =	vadd.f32 $-8.388608000e+06, v48;
	v20 =	vadd.f32 $8.388608000e+06, v20  }
0x8c: {  	v14 =	vadd.f32 $8.388608000e+06, v14;
	v15 =	vadd.f32 $8.388608000e+06, v15  }
0x8d: {  	v7 =	vadd.f32 $8.388608000e+06, v7;
	v18 =	vadd.f32 $8.388608000e+06, v18  }
0x8e: {  	v19 =	vmul.f32 $6.666667010e-02, v19;
	v4 =	vadd.f32 $8.388608000e+06, v4;
	v22 =	vadd.f32 $-8.388608000e+06, v49  }
0x8f: {  	vm0 =	vgt.f32 v31, $0.0e+00;
	v20 =	vadd.f32 $-8.388608000e+06, v20;
	v14 =	vadd.f32 $-8.388608000e+06, v14  }
0x90: {  	v21 =	vmul.f32 v21, v19;
	v7 =	vadd.f32 $-8.388608000e+06, v7;
	v15 =	vadd.f32 $-8.388608000e+06, v15  }
0x91: {  	v18 =	vadd.f32 $-8.388608000e+06, v18;
	v22 =	vmul.f32 v22, v19;
	v20 =	vmul.f32 v20, v19  }
0x92: {  	v4 =	vadd.f32 $-8.388608000e+06, v4;
	v14 =	vmul.f32 v14, v19;
	v15 =	vmul.f32 v15, v19;
	v50 =	vpop (erf)  }
0x93: {  	v21 =	vadd.f32 v21, v6;
	v18 =	vmul.f32 v18, v19;
	v23 =	vmul.f32 $1.500000000e+01, v50  }
0x94: {  	v4 =	vmul.f32 v4, v19;
	v22 =	vadd.f32 v22, v6;
	v7 =	vmul.f32 v7, v19  }
0x95: {  	v14 =	vadd.f32 v14, v6;
	v15 =	vadd.f32 v15, v6;
	v23 =	vnsel vm0, $0x0, v23  }
0x96: {  	v18 =	vadd.f32 v18, v6;
	v20 =	vadd.f32 v20, v6;
	v51 =	vmul.f32 v23, v30  }
0x97: {  	v4 =	vadd.f32 v4, v6;
	v17 =	vmul.f32 v23, v17;
	v13 =	vmul.f32 v23, v13  }
0x98: {  	v12 =	vmul.f32 v23, v12;
	v10 =	vmul.f32 v23, v10;
	v26 =	vsub.f32 $0.0e+00, v51  }
0x99: {  	v52 =	vadd.f32 v7, v6;
	v16 =	vmul.f32 v23, v16;
	v53 =	vmul.f32 v23, v11  }
0x9a: {  	[tilespmem:s22+$0x8070] =	vst v24;
	v55 =	vmul.f32 v23, v9;
	v17 =	vadd.f32 v26, v17;
	v13 =	vadd.f32 v26, v13  }
0x9b: {  	[tilespmem:s22+$0x8040] =	vst v25;
	v5 =	vmul.f32 v23, v5;
	v12 =	vadd.f32 v26, v12;
	v16 =	vadd.f32 v26, v16  }
0x9c: {  	[tilespmem:s22+$0x8050] =	vst v46;
	v10 =	vadd.f32 v26, v10;
	v7 =	vadd.f32 v26, v53  }
0x9d: {  	[tilespmem:s22+$0x8010] =	vst v47;
	v8 =	vadd.f32 v26, v55;
	v5 =	vadd.f32 v26, v5  }
0x9e: {  	[tilespmem:s21+$0x8030] =	vst v21;
	v54 =	vadd.f32 $8.388608000e+06, v17;
	v10 =	vadd.f32 $8.388608000e+06, v10  }
0x9f: {  	[tilespmem:s21+$0x8070] =	vst v22;
	v56 =	vadd.f32 $8.388608000e+06, v12;
	v7 =	vadd.f32 $8.388608000e+06, v7  }
0xa0: {  	v57 =	vmul.f32 $6.666667010e-02, v31;
	[tilespmem:s21+$0x8000] =	vst v14;
	v58 =	vadd.f32 $8.388608000e+06, v16;
	v10 =	vadd.f32 $-8.388608000e+06, v10  }
0xa1: {  	[tilespmem:s21+$0x8020] =	vst v15;
	v13 =	vadd.f32 $8.388608000e+06, v13;
	v11 =	vadd.f32 $-8.388608000e+06, v54  }
0xa2: {  	[tilespmem:s21+$0x8060] =	vst v18;
	v5 =	vadd.f32 $8.388608000e+06, v5;
	v14 =	vadd.f32 $-8.388608000e+06, v58;
	v10 =	vmul.f32 v10, v57  }
0xa3: {  	[tilespmem:s21+$0x8040] =	vst v20;
	v60 =	vadd.f32 $8.388608000e+06, v8;
	v7 =	vadd.f32 $-8.388608000e+06, v7;
	v11 =	vmul.f32 v11, v57  }
0xa4: {  	[tilespmem:s21+$0x8050] =	vst v4;
	v9 =	vadd.f32 $-8.388608000e+06, v56;
	v61 =	vmul.f32 v14, v57;
	v4 =	vadd.f32 v10, v30  }
0xa5: {  	[tilespmem:s21+$0x8010] =	vst v52;
	v59 =	vadd.f32 $-8.388608000e+06, v13;
	v7 =	vmul.f32 v7, v57;
	v11 =	vadd.f32 v11, v30  }
0xa6: {  	v9 =	vmul.f32 v9, v57;
	v8 =	vadd.f32 v61, v30;
	[tilespmem:s23+$0x8000] =	vst v4;
	v4 =	vadd.f32 $-8.388608000e+06, v5  }
0xa7: {  	v6 =	vadd.f32 $-8.388608000e+06, v60;
	v62 =	vmul.f32 v59, v57;
	v5 =	vadd.f32 v7, v30;
	[tilespmem:s23+$0x8030] =	vst v11  }
0xa8: {  	v63 =	vadd.f32 v9, v30;
	[tilespmem:s23+$0x8060] =	vst v8;
	v4 =	vmul.f32 v4, v57  }
0xa9: {  	p1 =	sne.s32 s19, $0x7;
	v6 =	vmul.f32 v6, v57;
	[tilespmem:s23+$0x8020] =	vst v5;
	v5 =	vadd.f32 v62, v30  }
.Ltmp3:
0xaa: {  	[tilespmem:s23+$0x8040] =	vst v63;
	v4 =	vadd.f32 v4, v30;
	(pc) =	sbr.rel @p1 .LBB2_6-.Ltmp3, $4  }
0xab: {  	[tilespmem:s23+$0x8070] =	vst v5;
	v5 =	vadd.f32 v6, v30  }
0xac: {  	s21 =	sshll.u32 s19, $0xC;
	[tilespmem:s23+$0x8050] =	vst v4  }
0xad: {  	s31 =	sadd.s32 s21, s6;
	[tilespmem:s23+$0x8010] =	vst v5  }
0xae: {  	[hbm4b:s31+s3] =	stream.linear.scatter [tilespmem:s13], [sflag:$0x3], $0x4000, $0x38;
	[tilespmem:$0x10000] =	vst v63  }
.Ltmp4:
0xaf: {  	(pc) =	sbr.rel .LBB2_7-.Ltmp4, $4  }
0xb0: {  	_ = 	snop  }
0xb1: {  	_ =	swait.ge [sflag:s14], $0x4000  }
0xb2: {  	[sflag:s14] =	ssyncset.done $0x0  }
0xb3: {  	[sflag:s14] =	ssyncadd.s32 $0xFFFFC000  }
.LBB2_6:
0xb4: {  	s22 =	sadd.s32 s20, s7  }
0xb5: {  	s22 =	sshll.u32 s22, $0xB  }
0xb6: {  	s22 =	sand.u32 $0x1FFFF000, s22  }
.Ltmp5:
0xb7: {  	s22 =	sadd.s32 s0, s22;
	(pc) =	sbr.rel @p0 .LBB2_8-.Ltmp5, $4  }
0xb8: {  	[tilespmem:s3], [sflag:$0x1] =	stream.linear.gather [hbm4b:s22+s3], $0x4000, $0x38;
	[tilespmem:$0x10000] =	vst v63  }
0xb9: {  	_ =	swait.ge [sflag:s14], $0x4000  }
0xba: {  	[sflag:s14] =	ssyncset.done $0x0  }
0xbb: {  	[sflag:s14] =	ssyncadd.s32 $0xFFFFC000  }
.LBB2_7:
0xbc: {  	_ =	swait.ge [sflag:s15], $0x4000  }
0xbd: {  	[sflag:s15] =	ssyncset.done $0x0  }
0xbe: {  	[sflag:s15] =	ssyncadd.s32 $0xFFFFC000  }
.LBB2_8:
0xbf: {  	s23 =	simm.s32 $0x0  }
0xc0: {  	v11 =	vld [tilespmem:s23+$0x4050]  }
0xc1: {  	v5 =	vld [tilespmem:s23+$0x4030]  }
0xc2: {  	v6 =	vld [tilespmem:s23+$0x4070]  }
0xc3: {  	v9 =	vld [tilespmem:s23+$0x4010]  }
0xc4: {  	v10 =	vld [tilespmem:s23+$0x4000]  }
0xc5: {  	v12 =	vld [tilespmem:s23+$0x4060]  }
0xc6: {  	v13 =	vld [tilespmem:s23+$0x4040]  }
0xc7: {  	v16 =	vld [tilespmem:s23+$0x4020];
	_ =	sdelay $0x2  }
0xc8: {  	v4 =	vmin.f32 v10, v9;
	v7 =	vmax.f32 v10, v9  }
0xc9: {  	v8 =	vmin.f32 v12, v6;
	v14 =	vmax.f32 v12, v6;
	v15 =	vmin.f32 v13, v11  }
0xca: {  	v17 =	vmax.f32 v13, v11;
	v18 =	vmax.f32 v16, v5;
	v8 =	vmin.f32 v15, v8  }
0xcb: {  	v15 =	vmin.f32 v16, v5;
	v14 =	vmax.f32 v17, v14;
	v7 =	vmax.f32 v7, v18  }
0xcc: {  	v4 =	vmin.f32 v4, v15;
	v7 =	vmax.f32 v7, v14  }
0xcd: {  	v4 =	vmin.f32 v4, v8;
	v8 =	vperm.xlane v7, v0  }
0xce: {  	v14 =	vperm.xlane v4, v0  }
0xcf: {  	v7 =	vmax.f32 v7, v8  }
0xd0: {  	s22 =	simm.s32 $0x80;
	v8 =	vmin.f32 v4, v14;
	v14 =	vperm.xlane v7, v1  }
0xd1: {  	v23 =	vld [tilespmem:s22+$0x4030];
	v15 =	vperm.xlane v8, v1  }
0xd2: {  	v25 =	vld [tilespmem:s22+$0x4070];
	v14 =	vmax.f32 v7, v14  }
0xd3: {  	v20 =	vld [tilespmem:s22+$0x4040];
	v8 =	vmin.f32 v8, v15;
	v15 =	vperm.xlane v14, v2  }
0xd4: {  	v18 =	vld [tilespmem:s22+$0x4060];
	v17 =	vperm.xlane v8, v2  }
0xd5: {  	v4 =	vld [tilespmem:s22+$0x4050];
	v15 =	vmax.f32 v14, v15  }
0xd6: {  	v7 =	vld [tilespmem:s22+$0x4010];
	v8 =	vmin.f32 v8, v17;
	v17 =	vperm.xlane v15, v3  }
0xd7: {  	v14 =	vld [tilespmem:s22+$0x4000];
	v19 =	vperm.xlane v8, v3  }
0xd8: {  	v17 =	vmax.f32 v15, v17;
	v15 =	vld [tilespmem:s22+$0x4020]  }
0xd9: {  	v8 =	vmin.f32 v8, v19  }
0xda: {  	v17 =	vsub.f32 v17, v8  }
0xdb: {  	v22 =	vmin.f32 v18, v25;
	v24 =	vmax.f32 v18, v25  }
0xdc: {  	v26 =	vmin.f32 v20, v4;
	v27 =	vmax.f32 v20, v4;
	(erf) = vrcp.f32 v17  }
0xdd: {  	v24 =	vmax.f32 v27, v24;
	v21 =	vmax.f32 v14, v7;
	v28 =	vmax.f32 v15, v23  }
0xde: {  	v19 =	vmin.f32 v14, v7;
	v27 =	vmin.f32 v15, v23;
	v21 =	vmax.f32 v21, v28  }
0xdf: {  	v22 =	vmin.f32 v26, v22;
	v19 =	vmin.f32 v19, v27;
	v21 =	vmax.f32 v21, v24  }
0xe0: {  	v19 =	vmin.f32 v19, v22;
	v22 =	vperm.xlane v21, v0  }
0xe1: {  	v24 =	vperm.xlane v19, v0  }
0xe2: {  	v21 =	vmax.f32 v21, v22  }
0xe3: {  	v22 =	vperm.xlane v21, v1  }
0xe4: {  	v19 =	vmin.f32 v19, v24  }
0xe5: {  	v26 =	vperm.xlane v19, v1;
	v24 =	vpop (erf);
	v21 =	vmax.f32 v21, v22  }
0xe6: {  	v24 =	vmul.f32 $1.500000000e+01, v24;
	v22 =	vperm.xlane v21, v2  }
0xe7: {  	vm0 =	vgt.f32 v17, $0.0e+00;
	v19 =	vmin.f32 v19, v26  }
0xe8: {  	v26 =	vperm.xlane v19, v2;
	v24 =	vnsel vm0, $0x0, v24;
	v21 =	vmax.f32 v21, v22  }
0xe9: {  	v27 =	vmul.f32 v24, v8;
	v22 =	vperm.xlane v21, v3  }
0xea: {  	v19 =	vmin.f32 v19, v26;
	v5 =	vmul.f32 v24, v5;
	v28 =	vmul.f32 v24, v6  }
0xeb: {  	v29 =	vmul.f32 v24, v10;
	v26 =	vsub.f32 $0.0e+00, v27;
	v27 =	vperm.xlane v19, v3  }
0xec: {  	s24 =	simm.s32 $0x100;
	v10 =	vmul.f32 v24, v12;
	v30 =	vmul.f32 v24, v9  }
0xed: {  	v9 =	vld [tilespmem:s24+$0x4010];
	v21 =	vmax.f32 v21, v22;
	v22 =	vadd.f32 v26, v5;
	v6 =	vmin.f32 v19, v27  }
0xee: {  	v27 =	vmul.f32 v24, v13;
	v5 =	vld [tilespmem:s24+$0x4050];
	v28 =	vadd.f32 v26, v28;
	v31 =	vadd.f32 v26, v10  }
0xef: {  	v13 =	vld [tilespmem:s24+$0x4070];
	v29 =	vadd.f32 v26, v29;
	v30 =	vadd.f32 v26, v30  }
0xf0: {  	v10 =	vld [tilespmem:s24+$0x4000];
	v19 =	vsub.f32 v21, v6;
	v12 =	vadd.f32 v26, v27  }
0xf1: {  	v21 =	vmul.f32 $6.666667010e-02, v17;
	v17 =	vld [tilespmem:s24+$0x4030];
	v22 =	vadd.f32 $8.388608000e+06, v22;
	v29 =	vadd.f32 $8.388608000e+06, v29  }
0xf2: {  	v27 =	vmul.f32 v24, v16;
	v16 =	vld [tilespmem:s24+$0x4060];
	v31 =	vadd.f32 $8.388608000e+06, v31;
	v28 =	vadd.f32 $8.388608000e+06, v28  }
0xf3: {  	v24 =	vmul.f32 v24, v11;
	v11 =	vld [tilespmem:s24+$0x4020];
	v30 =	vadd.f32 $8.388608000e+06, v30;
	v32 =	vadd.f32 $8.388608000e+06, v12  }
0xf4: {  	(erf) = vrcp.f32 v19;
	v27 =	vadd.f32 v26, v27;
	v22 =	vadd.f32 $-8.388608000e+06, v22;
	v12 =	vld [tilespmem:s24+$0x4040]  }
0xf5: {  	vm15 =	vgt.f32 v19, $0.0e+00;
	v26 =	vadd.f32 v26, v24;
	v29 =	vadd.f32 $-8.388608000e+06, v29  }
0xf6: {  	v31 =	vadd.f32 $-8.388608000e+06, v31;
	v28 =	vadd.f32 $-8.388608000e+06, v28;
	v51 =	vmin.f32 v10, v9  }
0xf7: {  	v34 =	vmax.f32 v10, v9;
	v32 =	vadd.f32 $-8.388608000e+06, v32;
	v27 =	vadd.f32 $8.388608000e+06, v27  }
0xf8: {  	v22 =	vmul.f32 v22, v21;
	v29 =	vmul.f32 v29, v21;
	v24 =	vmin.f32 v16, v13  }
0xf9: {  	v35 =	vmax.f32 v16, v13;
	v52 =	vmax.f32 v11, v17;
	v36 =	vmin.f32 v12, v5  }
0xfa: {  	v53 =	vmax.f32 v34, v52;
	v37 =	vmax.f32 v12, v5;
	v36 =	vmin.f32 v36, v24  }
0xfb: {  	v35 =	vmax.f32 v37, v35;
	v24 =	vadd.f32 $-8.388608000e+06, v30;
	v30 =	vmin.f32 v11, v17  }
0xfc: {  	v33 =	vmul.f32 v32, v21;
	v30 =	vmin.f32 v51, v30;
	v32 =	vmax.f32 v53, v35  }
0xfd: {  	v31 =	vmul.f32 v31, v21;
	v30 =	vmin.f32 v30, v36;
	v54 =	vperm.xlane v32, v0  }
0xfe: {  	v26 =	vadd.f32 $8.388608000e+06, v26;
	v28 =	vmul.f32 v28, v21;
	v36 =	vperm.xlane v30, v0  }
0xff: {  	v27 =	vadd.f32 $-8.388608000e+06, v27;
	v29 =	vadd.f32 v29, v8;
	v32 =	vmax.f32 v32, v54  }
0x100: {  	v57 =	vadd.f32 $-8.388608000e+06, v26;
	v55 =	vpop (erf);
	v30 =	vmin.f32 v30, v36;
	v58 =	vperm.xlane v32, v1  }
0x101: {  	v60 =	vadd.f32 v22, v8;
	v56 =	vmul.f32 $1.500000000e+01, v55;
	v59 =	vperm.xlane v30, v1  }
0x102: {  	v63 =	vadd.f32 v31, v8;
	v27 =	vmul.f32 v27, v21;
	v32 =	vmax.f32 v32, v58  }
0x103: {  	v26 =	vnsel vm15, $0x0, v56;
	v30 =	vmin.f32 v30, v59;
	v61 =	vperm.xlane v32, v2  }
0x104: {  	v38 =	vadd.f32 v27, v8;
	v34 =	vmul.f32 v26, v6;
	v39 =	vperm.xlane v30, v2  }
0x105: {  	[tilespmem:s23+$0xC000] =	vst v29;
	v62 =	vmul.f32 v26, v23;
	v27 =	vmul.f32 v26, v25;
	v32 =	vmax.f32 v32, v61  }
0x106: {  	[tilespmem:s23+$0xC030] =	vst v60;
	v22 =	vsub.f32 $0.0e+00, v34;
	v30 =	vmin.f32 v30, v39;
	v25 =	vperm.xlane v32, v3  }
0x107: {  	v29 =	vmul.f32 v57, v21;
	[tilespmem:s23+$0xC060] =	vst v63;
	v23 =	vadd.f32 v28, v8;
	v31 =	vperm.xlane v30, v3  }
0x108: {  	s25 =	simm.s32 $0x600;
	[tilespmem:s23+$0xC020] =	vst v38;
	v28 =	vadd.f32 v22, v62;
	v32 =	vmax.f32 v32, v25;
	v25 =	vadd.f32 v33, v8  }
.LBB2_9:
0x109: {  	s26 =	sshra.s32 s25, $0x2;
	p0 =	sne.s32 s25, $0xFE00;
	s25 =	sadd.s32 $0x200, s25;
	v30 =	vmin.f32 v30, v31;
	v31 =	vmul.f32 v26, v14;
	v33 =	vmul.f32 v26, v7;
	v7 =	vmovc v9  }
0x10a: {  	v9 =	vmul.f32 v26, v20;
	v35 =	vmul.f32 v24, v21;
	v34 =	vld [tilespmem:s26+$0x4050];
	v32 =	vsub.f32 v32, v30;
	[tilespmem:s23+$0xC070] =	vst v23  }
0x10b: {  	v18 =	vmul.f32 v26, v18;
	v24 =	vadd.f32 v22, v27;
	v20 =	vadd.f32 v29, v8;
	v23 =	vld [tilespmem:s26+$0x4030];
	[tilespmem:s23+$0xC040] =	vst v25  }
0x10c: {  	v21 =	vadd.f32 v22, v9;
	v27 =	vadd.f32 v35, v8;
	v8 =	vmovc v6;
	v6 =	vmovc v30;
	v25 =	vld [tilespmem:s26+$0x4070];
	(erf) = vrcp.f32 v32  }
0x10d: {  	v14 =	vmovc v10;
	v28 =	vadd.f32 $8.388608000e+06, v28;
	v35 =	vmul.f32 v26, v15;
	v29 =	vadd.f32 v22, v18;
	v9 =	vld [tilespmem:s26+$0x4010];
	[tilespmem:s23+$0xC050] =	vst v20  }
0x10e: {  	v30 =	vadd.f32 v22, v31;
	v26 =	vmul.f32 v26, v4;
	v4 =	vmovc v5;
	v36 =	vadd.f32 $8.388608000e+06, v21;
	v10 =	vld [tilespmem:s26+$0x4000];
	[tilespmem:s23+$0xC010] =	vst v27;
	s23 =	smov.u32 s22;
	s22 =	smov.u32 s24;
	s24 =	smov.u32 s26  }
0x10f: {  	v28 =	vadd.f32 $-8.388608000e+06, v28;
	v21 =	vmul.f32 $6.666667010e-02, v19;
	v31 =	vadd.f32 v22, v35;
	v19 =	vmovc v32;
	v27 =	vld [tilespmem:s24+$0x4060];
	v5 =	vmovc v34  }
0x110: {  	v15 =	vmovc v11;
	v32 =	vadd.f32 v22, v33;
	v18 =	vmovc v16;
	v20 =	vmov v12;
	v33 =	vadd.f32 $-8.388608000e+06, v36;
	v12 =	vld [tilespmem:s24+$0x4040]  }
0x111: {  	v30 =	vadd.f32 $8.388608000e+06, v30;
	v31 =	vadd.f32 $8.388608000e+06, v31;
	v28 =	vmul.f32 v28, v21;
	v11 =	vld [tilespmem:s24+$0x4020]  }
0x112: {  	v29 =	vadd.f32 $8.388608000e+06, v29;
	v34 =	vadd.f32 $8.388608000e+06, v24;
	v33 =	vmul.f32 v33, v21  }
0x113: {  	v22 =	vadd.f32 v22, v26;
	v35 =	vmin.f32 v10, v9;
	v36 =	vmax.f32 v10, v9  }
0x114: {  	v32 =	vadd.f32 $8.388608000e+06, v32;
	v24 =	vmin.f32 v27, v25;
	v26 =	vmax.f32 v27, v25;
	v16 =	vmovc v27  }
0x115: {  	v30 =	vadd.f32 $-8.388608000e+06, v30;
	v27 =	vmin.f32 v12, v5;
	v37 =	vmax.f32 v12, v5;
	v38 =	vpop (erf)  }
0x116: {  	v27 =	vmin.f32 v27, v24;
	v26 =	vmax.f32 v37, v26;
	v24 =	vadd.f32 $-8.388608000e+06, v32  }
0x117: {  	v31 =	vadd.f32 $-8.388608000e+06, v31;
	v32 =	vmin.f32 v11, v23;
	v37 =	vmax.f32 v11, v23  }
0x118: {  	v30 =	vmul.f32 v30, v21;
	v32 =	vmin.f32 v35, v32;
	v35 =	vmax.f32 v36, v37  }
0x119: {  	v22 =	vadd.f32 $8.388608000e+06, v22;
	v27 =	vmin.f32 v32, v27;
	v26 =	vmax.f32 v35, v26  }
0x11a: {  	vm0 =	vgt.f32 v19, $0.0e+00;
	v30 =	vadd.f32 v30, v8;
	v32 =	vperm.xlane v26, v0  }
0x11b: {  	v29 =	vadd.f32 $-8.388608000e+06, v29;
	v34 =	vadd.f32 $-8.388608000e+06, v34;
	v35 =	vperm.xlane v27, v0  }
0x11c: {  	v36 =	vadd.f32 $-8.388608000e+06, v22;
	v32 =	vmax.f32 v26, v32;
	v26 =	vmul.f32 $1.500000000e+01, v38;
	[tilespmem:s23+$0xC000] =	vst v30  }
0x11d: {  	v29 =	vmul.f32 v29, v21;
	v22 =	vmin.f32 v27, v35;
	v27 =	vperm.xlane v32, v1  }
0x11e: {  	v31 =	vmul.f32 v31, v21;
	v30 =	vperm.xlane v22, v1;
	v26 =	vnsel vm0, $0x0, v26  }
0x11f: {  	v28 =	vadd.f32 v28, v8;
	v27 =	vmax.f32 v32, v27;
	v32 =	vmul.f32 v26, v6  }
0x120: {  	v31 =	vadd.f32 v31, v8;
	v30 =	vmin.f32 v22, v30;
	v35 =	vperm.xlane v27, v2  }
.Ltmp6:
0x121: {  	v37 =	vperm.xlane v30, v2;
	v22 =	vsub.f32 $0.0e+00, v32;
	[tilespmem:s23+$0xC030] =	vst v28;
	v28 =	vmul.f32 v34, v21;
	(pc) =	sbr.rel @p0 .LBB2_9-.Ltmp6, $4  }
0x122: {  	v32 =	vmax.f32 v27, v35;
	v34 =	vmul.f32 v26, v17;
	v27 =	vmul.f32 v26, v13;
	[tilespmem:s23+$0xC020] =	vst v31  }
0x123: {  	v30 =	vmin.f32 v30, v37;
	v37 =	vadd.f32 v29, v8;
	v17 =	vmovc v23;
	v35 =	vperm.xlane v32, v3  }
0x124: {  	v29 =	vmul.f32 v36, v21;
	v13 =	vmovc v25;
	v31 =	vperm.xlane v30, v3;
	v23 =	vadd.f32 v28, v8  }
0x125: {  	v25 =	vadd.f32 v33, v8;
	v28 =	vadd.f32 v22, v34;
	v32 =	vmax.f32 v32, v35;
	[tilespmem:s23+$0xC060] =	vst v37  }
0x126: {  	v20 =	vmul.f32 v26, v20  }
0x127: {  	v30 =	vmin.f32 v30, v31;
	v21 =	vmul.f32 v24, v21;
	v18 =	vmul.f32 v26, v18  }
0x128: {  	v45 =	vadd.f32 v22, v27;
	v46 =	vadd.f32 v29, v8;
	v14 =	vmul.f32 v26, v14  }
0x129: {  	v15 =	vmul.f32 v26, v15;
	v31 =	vsub.f32 v32, v30;
	v48 =	vadd.f32 $8.388608000e+06, v28  }
0x12a: {  	v7 =	vmul.f32 v26, v7;
	v20 =	vadd.f32 v22, v20;
	v47 =	vadd.f32 v21, v8  }
0x12b: {  	v4 =	vmul.f32 v26, v4;
	v18 =	vadd.f32 v22, v18;
	v14 =	vadd.f32 v22, v14  }
0x12c: {  	v15 =	vadd.f32 v22, v15;
	v7 =	vadd.f32 v22, v7;
	(erf) = vrcp.f32 v31  }
0x12d: {  	v4 =	vadd.f32 v22, v4;
	v49 =	vadd.f32 $8.388608000e+06, v45  }
0x12e: {  	v21 =	vadd.f32 $-8.388608000e+06, v48;
	v20 =	vadd.f32 $8.388608000e+06, v20  }
0x12f: {  	v14 =	vadd.f32 $8.388608000e+06, v14;
	v15 =	vadd.f32 $8.388608000e+06, v15  }
0x130: {  	v7 =	vadd.f32 $8.388608000e+06, v7;
	v18 =	vadd.f32 $8.388608000e+06, v18  }
0x131: {  	v19 =	vmul.f32 $6.666667010e-02, v19;
	v4 =	vadd.f32 $8.388608000e+06, v4;
	v22 =	vadd.f32 $-8.388608000e+06, v49  }
0x132: {  	vm0 =	vgt.f32 v31, $0.0e+00;
	v20 =	vadd.f32 $-8.388608000e+06, v20;
	v14 =	vadd.f32 $-8.388608000e+06, v14  }
0x133: {  	v21 =	vmul.f32 v21, v19;
	v7 =	vadd.f32 $-8.388608000e+06, v7;
	v15 =	vadd.f32 $-8.388608000e+06, v15  }
0x134: {  	v18 =	vadd.f32 $-8.388608000e+06, v18;
	v22 =	vmul.f32 v22, v19;
	v20 =	vmul.f32 v20, v19  }
0x135: {  	v4 =	vadd.f32 $-8.388608000e+06, v4;
	v14 =	vmul.f32 v14, v19;
	v15 =	vmul.f32 v15, v19;
	v50 =	vpop (erf)  }
0x136: {  	v21 =	vadd.f32 v21, v6;
	v18 =	vmul.f32 v18, v19;
	v24 =	vmul.f32 $1.500000000e+01, v50  }
0x137: {  	v4 =	vmul.f32 v4, v19;
	v22 =	vadd.f32 v22, v6;
	v7 =	vmul.f32 v7, v19  }
0x138: {  	v14 =	vadd.f32 v14, v6;
	v15 =	vadd.f32 v15, v6;
	v24 =	vnsel vm0, $0x0, v24  }
0x139: {  	v18 =	vadd.f32 v18, v6;
	v20 =	vadd.f32 v20, v6;
	v51 =	vmul.f32 v24, v30  }
0x13a: {  	v4 =	vadd.f32 v4, v6;
	v17 =	vmul.f32 v24, v17;
	v13 =	vmul.f32 v24, v13  }
0x13b: {  	v12 =	vmul.f32 v24, v12;
	v10 =	vmul.f32 v24, v10;
	v26 =	vsub.f32 $0.0e+00, v51  }
0x13c: {  	v52 =	vadd.f32 v7, v6;
	v16 =	vmul.f32 v24, v16;
	v53 =	vmul.f32 v24, v11  }
0x13d: {  	[tilespmem:s23+$0xC070] =	vst v23;
	v55 =	vmul.f32 v24, v9;
	v17 =	vadd.f32 v26, v17;
	v13 =	vadd.f32 v26, v13  }
0x13e: {  	[tilespmem:s23+$0xC040] =	vst v25;
	v5 =	vmul.f32 v24, v5;
	v12 =	vadd.f32 v26, v12;
	v16 =	vadd.f32 v26, v16  }
0x13f: {  	[tilespmem:s23+$0xC050] =	vst v46;
	v10 =	vadd.f32 v26, v10;
	v7 =	vadd.f32 v26, v53  }
0x140: {  	[tilespmem:s23+$0xC010] =	vst v47;
	v8 =	vadd.f32 v26, v55;
	v5 =	vadd.f32 v26, v5  }
0x141: {  	[tilespmem:s22+$0xC030] =	vst v21;
	v54 =	vadd.f32 $8.388608000e+06, v17;
	v10 =	vadd.f32 $8.388608000e+06, v10  }
0x142: {  	[tilespmem:s22+$0xC070] =	vst v22;
	v56 =	vadd.f32 $8.388608000e+06, v12;
	v7 =	vadd.f32 $8.388608000e+06, v7  }
0x143: {  	v57 =	vmul.f32 $6.666667010e-02, v31;
	[tilespmem:s22+$0xC000] =	vst v14;
	v58 =	vadd.f32 $8.388608000e+06, v16;
	v10 =	vadd.f32 $-8.388608000e+06, v10  }
0x144: {  	[tilespmem:s22+$0xC020] =	vst v15;
	v13 =	vadd.f32 $8.388608000e+06, v13;
	v11 =	vadd.f32 $-8.388608000e+06, v54  }
0x145: {  	[tilespmem:s22+$0xC060] =	vst v18;
	v5 =	vadd.f32 $8.388608000e+06, v5;
	v14 =	vadd.f32 $-8.388608000e+06, v58;
	v10 =	vmul.f32 v10, v57  }
0x146: {  	[tilespmem:s22+$0xC040] =	vst v20;
	v60 =	vadd.f32 $8.388608000e+06, v8;
	v7 =	vadd.f32 $-8.388608000e+06, v7;
	v11 =	vmul.f32 v11, v57  }
0x147: {  	[tilespmem:s22+$0xC050] =	vst v4;
	v9 =	vadd.f32 $-8.388608000e+06, v56;
	v61 =	vmul.f32 v14, v57;
	v4 =	vadd.f32 v10, v30  }
0x148: {  	[tilespmem:s22+$0xC010] =	vst v52;
	v59 =	vadd.f32 $-8.388608000e+06, v13;
	v7 =	vmul.f32 v7, v57;
	v11 =	vadd.f32 v11, v30  }
0x149: {  	v9 =	vmul.f32 v9, v57;
	v8 =	vadd.f32 v61, v30;
	[tilespmem:s24+$0xC000] =	vst v4;
	v4 =	vadd.f32 $-8.388608000e+06, v5  }
0x14a: {  	v6 =	vadd.f32 $-8.388608000e+06, v60;
	v62 =	vmul.f32 v59, v57;
	v5 =	vadd.f32 v7, v30;
	[tilespmem:s24+$0xC030] =	vst v11  }
0x14b: {  	v63 =	vadd.f32 v9, v30;
	[tilespmem:s24+$0xC060] =	vst v8;
	v4 =	vmul.f32 v4, v57  }
0x14c: {  	p0 =	seq.s32 s19, $0x7;
	v6 =	vmul.f32 v6, v57;
	[tilespmem:s24+$0xC020] =	vst v5;
	v5 =	vadd.f32 v62, v30  }
.Ltmp7:
0x14d: {  	[tilespmem:s24+$0xC040] =	vst v63;
	v4 =	vadd.f32 v4, v30;
	(pc) =	sbr.rel @p0 .LBB2_12-.Ltmp7, $4  }
0x14e: {  	[tilespmem:s24+$0xC070] =	vst v5;
	v5 =	vadd.f32 v6, v30  }
0x14f: {  	[tilespmem:s24+$0xC050] =	vst v4  }
0x150: {  	s21 =	sadd.s32 s10, s21;
	[tilespmem:s24+$0xC010] =	vst v5  }
0x151: {  	[hbm4b:s21+s3] =	stream.linear.scatter [tilespmem:s16], [sflag:$0x4], $0x4000, $0x38;
	[tilespmem:$0x10000] =	vst v63  }
.Ltmp8:
0x152: {  	(pc) =	sbr.rel .LBB2_2-.Ltmp8, $4  }
0x153: {  	s20 =	sadd.s32 s20, s8  }
0x154: {  	s20 =	sshll.u32 s20, $0xB  }
0x155: {  	s19 =	sadd.s32 $0x1, s19;
	s20 =	sadd.s32 s0, s20  }
0x156: {  	[tilespmem:s11], [sflag:$0x2] =	stream.linear.gather [hbm4b:s20+s3], $0x4000, $0x38;
	[tilespmem:$0x10000] =	vst v63  }
.LBB2_13:
0x157: {  	_ =	sfence.sel $0x180000  }
0x158: {  	[bflag:$0x0] =	sbarrier.arrive $0xFFFF  }
0x159: {  	p0 =	sne.s32 s1, $0x0;
	_ =	strace $0x90000047  }
0x15a: {  	s0 =	sadd.s32 @!p0 $0x100000, s2;
	[bflag:$0x2] =	sbarrier.arrive $0xFFFF  }
0x15b: {  	[sflag:s0] =	ssyncadd.tile.s32 @!p0 $0x1;
	_ =	shalt  }
.Lfunc_end2:
_tile_overlayer_lowered:
.L_overlay_start_2:
0x15c: {  	(tag) =	ssettag $0x2  }
0x15d: {  	s0 =	rddreg [dreg:$0x0];
	s2 =	stileid.u32  }
0x15e: {  	s1 =	rddreg [dreg:$0x1];
	p0 =	sne.s32 s2, $0x0  }
0x15f: {  	s3 =	rddreg [dreg:$0x2];
	[bflag:$0x3] =	sbarrier.arrive $0xFFFF;
	s2 =	simm.s32 @!p0 $0x1C05  }
0x160: {  	[timem:s3], [sflag:s2] =	dma.local @!p0 [hbm:s0], s1  }
0x161: {  	s0 =	simm.s32 @!p0 $0x5  }
0x162: {  	_ =	swait.ge @!p0 [sflag:s0], s1  }
0x163: {  	s1 =	ssub.s32 @!p0 $0x0, s1;
	[sflag:s0] =	ssyncset.done @!p0 $0x0  }
0x164: {  	[sflag:s0] =	ssyncadd.s32 @!p0 s1  }
0x165: {  	[bflag:$0x3] =	sbarrier.arrive $0xFFFF  }
0x166: {  	_ =	shalt  }

</sc_bundles>
